<compile_context>
chip_gen: v7x
topology: tpu7x:2x2x1
jax: 0.10.2.dev20260603
libtpu: 0.0.44.dev20260713+nightly
codegen_flags: <defaults>
</compile_context>

<pallas_src>
import functools
import jax
import jax.numpy as jnp
from jax import lax
from jax.experimental import pallas as pl
from jax.experimental.pallas import tpu as pltpu
from jax.experimental.pallas import tpu_sc as plsc

_BINS = 15
_N = 50000
_C = 10
_L = 16
_NS = 16
_EPT = 3200
_NP = _NS * _EPT
_G = _EPT // _L
_NITER = 20
_MIN_T = 1e-8
_MAX_T = 5.0
_EPS = 1e-8

_mesh = plsc.VectorSubcoreMesh(core_axis_name="c", subcore_axis_name="s")


@functools.partial(
    pl.kernel,
    mesh=_mesh,
    out_type=jax.ShapeDtypeStruct((16,), jnp.float32),
    scratch_types=[
        pltpu.VMEM((_C * _EPT,), jnp.float32),
        pltpu.VMEM((_EPT,), jnp.int32),
        pltpu.VMEM((_EPT,), jnp.int32),
        pltpu.VMEM((16,), jnp.float32),
        pltpu.VMEM((16,), jnp.float32),
        pltpu.VMEM((16,), jnp.float32),
        pltpu.VMEM((16,), jnp.float32),
        pltpu.VMEM((16,), jnp.float32),
        pltpu.VMEM((16,), jnp.int32),
        pltpu.VMEM_SHARED((16,), jnp.float32),
        pltpu.SemaphoreType.DMA,
    ],
    compiler_params=pltpu.CompilerParams(needs_layout_passes=False),
)
def _sc_cal(lt_hbm, lab_hbm, edges_hbm, out_hbm,
            d_v, b_v, lab_v, e_v, rtab_v, acc_v, g_v, z_v, idx_v, sh_acc,
            sem):
    f32 = jnp.float32
    i32 = jnp.int32
    cid = lax.axis_index("c")
    sid = lax.axis_index("s")
    start = sid * _EPT
    lanes = lax.iota(i32, _L)

    for c in range(_C):
        pltpu.sync_copy(lt_hbm.at[pl.ds(c * _NP + start, _EPT)],
                        d_v.at[pl.ds(c * _EPT, _EPT)])
    pltpu.sync_copy(lab_hbm.at[pl.ds(start, _EPT)], lab_v)
    pltpu.sync_copy(edges_hbm, e_v)
    idx_v[...] = lanes
    z_v[...] = jnp.zeros((_L,), f32)
    ebk = [plsc.load_gather(e_v, [jnp.full((_L,), k, i32)])
           for k in range(_BINS + 1)]

    acc_v[...] = jnp.zeros((_L,), f32)
    g_v[...] = jnp.zeros((_L,), f32)

    def phase_a(g, _):
        sl = pl.ds(g * _L, _L)
        lv = [d_v[pl.ds(c * _EPT + g * _L, _L)] for c in range(_C)]
        m = lv[0]
        for c in range(1, _C):
            m = jnp.maximum(m, lv[c])
        s1 = jnp.zeros((_L,), f32)
        dv = []
        for c in range(_C):
            dc = lv[c] - m
            dv.append(dc)
            s1 = s1 + jnp.exp(dc)
        for c in range(_C):
            d_v[pl.ds(c * _EPT + g * _L, _L)] = dv[c]
        p0 = 1.0 / s1
        am = jnp.full((_L,), _C, i32)
        for c in range(_C - 1, -1, -1):
            am = jnp.where(lv[c] == m, i32(c), am)
        correct = (am == lab_v[sl])
        cnt = jnp.zeros((_L,), i32)
        for k in range(_BINS + 1):
            cnt = cnt + jnp.where(p0 > ebk[k], i32(1), i32(0))
        gidx = start + g * _L + lanes
        b = jnp.where(gidx < _N, cnt - 1, _BINS)
        b_v[sl] = b
        ones = jnp.ones((_L,), f32)
        plsc.addupdate_scatter(acc_v, [b], ones)
        cf = jnp.where(correct & (gidx < _N), f32(1.0), f32(0.0))
        plsc.addupdate_scatter(g_v, [b], cf)
        return _

    lax.fori_loop(0, _G, phase_a, 0)

    @pl.when(sid == 0)
    def _():
        pltpu.sync_copy(z_v, sh_acc)
    plsc.subcore_barrier()
    pltpu.sync_copy(acc_v, sh_acc.at[idx_v], add=True)
    plsc.subcore_barrier()
    pltpu.sync_copy(sh_acc, acc_v)
    plsc.subcore_barrier()
    @pl.when(sid == 0)
    def _():
        pltpu.sync_copy(z_v, sh_acc)
    plsc.subcore_barrier()
    pltpu.sync_copy(g_v, sh_acc.at[idx_v], add=True)
    plsc.subcore_barrier()
    pltpu.sync_copy(sh_acc, g_v)
    counts = acc_v[...]
    a_vec = g_v[...] / counts

    base = cid * 8
    mine = (lanes >= base) & (lanes < jnp.minimum(base + 8, _BINS))

    def body(_, carry):
        lo, hi, t, done = carry
        t_new = (lo + hi) * f32(0.5)
        rtab_v[...] = jnp.where(mine, 1.0 / t_new, f32(1.0))
        acc_v[...] = jnp.zeros((_L,), f32)

        def inner(g, _2):
            sl = pl.ds(g * _L, _L)
            b = b_v[sl]
            r = plsc.load_gather(rtab_v, [b])
            s = jnp.zeros((_L,), f32)
            for c in range(_C):
                s = s + jnp.exp(d_v[pl.ds(c * _EPT + g * _L, _L)] * r)
            plsc.addupdate_scatter(acc_v, [b], 1.0 / s)
            return _2

        lax.fori_loop(0, _G, inner, 0)

        plsc.subcore_barrier()
        @pl.when(sid == 0)
        def _():
            pltpu.sync_copy(z_v, sh_acc)
        plsc.subcore_barrier()
        pltpu.sync_copy(acc_v, sh_acc.at[idx_v], add=True)
        plsc.subcore_barrier()
        pltpu.sync_copy(sh_acc, g_v)
        c_vec = g_v[...] / counts
        go_up = c_vec > a_vec
        lo_u = jnp.where(go_up, t_new, lo)
        hi_u = jnp.where(go_up, hi, t_new)
        conv = jnp.abs(c_vec - a_vec) < _EPS
        lo_n = jnp.where(done, lo, lo_u)
        hi_n = jnp.where(done, hi, hi_u)
        t_n = jnp.where(done, t, t_new)
        return lo_n, hi_n, t_n, jnp.logical_or(done, conv)

    lo0 = jnp.full((_L,), _MIN_T, f32)
    hi0 = jnp.full((_L,), _MAX_T, f32)
    t0 = jnp.full((_L,), 1.0, f32)
    dn0 = jnp.zeros((_L,), jnp.bool_)
    _, _, t_fin, _ = lax.fori_loop(0, _NITER, body, (lo0, hi0, t0, dn0))

    rtab_v[...] = t_fin
    @pl.when((sid == 0) & (cid == 0))
    def _():
        pltpu.sync_copy(rtab_v.at[pl.ds(0, 8)], out_hbm.at[pl.ds(0, 8)])
    @pl.when((sid == 0) & (cid == 1))
    def _():
        pltpu.sync_copy(rtab_v.at[pl.ds(8, 8)], out_hbm.at[pl.ds(8, 8)])


def kernel(logits, labels):
    lt = jnp.transpose(logits)
    lt = jnp.pad(lt, ((0, 0), (0, _NP - _N))).reshape(_C * _NP)
    lab = jnp.pad(labels, (0, _NP - _N), constant_values=-1)
    edges = jnp.linspace(0.0, 1.0, _BINS + 1, dtype=jnp.float32)
    out = _sc_cal(lt, lab, edges)
    return out[:_BINS]

# --- scband reference (transcript-rebuilt; emitter-appended) ---
"""Pipeline reference for scband-ct-calibrator-34059090658028 (READ-ONLY COPY).

The authoritative reference and input builder live on the scoring server;
editing this copy changes nothing except your own understanding.
"""

import jax, jax.numpy as jnp
import numpy as np

BINS = 15
N = 50000
C = 10


def max_class_probability(out):
    p = jax.nn.softmax(out, axis=-1)
    return jnp.max(p, axis=-1)


def get_bin_index(logits):
    bins = jnp.linspace(0.0, 1.0, BINS + 1)[None, :]
    p = max_class_probability(logits)[:, None]
    mask = (p > bins) & (p <= jnp.roll(bins, -1, axis=-1))
    return jnp.argmax(mask, axis=-1)


def binary_search_t(logits_i, a, min_t=1e-08, max_t=5.0, epsilon=1e-08, max_iter=100, mask=None):
    a64 = jnp.asarray(a, dtype=jnp.float64)
    count = jnp.sum(mask.astype(jnp.float32))
    lo0 = jnp.asarray(min_t, dtype=jnp.float64)
    hi0 = jnp.asarray(max_t, dtype=jnp.float64)
    t0 = jnp.asarray(1.0, dtype=jnp.float64)
    done0 = jnp.asarray(False)

    def body(_, carry):
        lo, hi, t, done = carry
        t_new = (lo + hi) / 2.0
        p = max_class_probability(logits_i / t_new.astype(jnp.float32))
        c = jnp.sum(jnp.where(mask, p, jnp.float32(0.0))) / count
        c64 = c.astype(jnp.float64)
        go_up = c64 > a64
        lo_upd = jnp.where(go_up, t_new, lo)
        hi_upd = jnp.where(go_up, hi, t_new)
        conv = jnp.abs(c64 - a64) < epsilon
        lo = jnp.where(done, lo, lo_upd)
        hi = jnp.where(done, hi, hi_upd)
        t = jnp.where(done, t, t_new)
        done = jnp.logical_or(done, conv)
        return lo, hi, t, done

    lo, hi, t, done = jax.lax.fori_loop(0, max_iter, body, (lo0, hi0, t0, done0))
    return t


def setup_inputs(seed: int = 0):
    key = jax.random.key(seed)
    k1, k2 = jax.random.split(key)
    logits = jax.random.normal(k1, (N, C), dtype=jnp.float32)
    labels = jax.random.randint(k2, (N,), 0, C, dtype=jnp.int32)
    return {"logits": logits, "labels": labels}


def reference(logits, labels):
    correct = jnp.argmax(logits, axis=-1) == labels
    bin_index = get_bin_index(logits)
    correct_f = correct.astype(jnp.float32)
    temperatures = []
    for i in range(BINS):
        mask_i = bin_index == i
        count_i = jnp.sum(mask_i.astype(jnp.float32))
        a_i = jnp.sum(jnp.where(mask_i, correct_f, jnp.float32(0.0))) / count_i
        t_i = binary_search_t(logits, a_i, mask=mask_i)
        temperatures.append(t_i)
    return jnp.asarray(temperatures, dtype=jnp.float32)

if __name__ == "__main__":
    import jax
    _d = setup_inputs()
    print(jax.jit(kernel)(*tuple(_d.values())))

</pallas_src>

<mosaic_0001>
#map = affine_map<(d0, d1) -> (0)>
module attributes {stable_mosaic.version = 14 : i64} {
  func.func @_sc_cal(%arg0: i32, %arg1: i32, %arg2: memref<512000xf32, #tpu.memory_space<hbm>>, %arg3: memref<51200xi32, #tpu.memory_space<hbm>>, %arg4: memref<16xf32, #tpu.memory_space<hbm>>, %arg5: memref<16xf32, #tpu.memory_space<hbm>>, %arg6: memref<32000xf32, #tpu.memory_space<vmem>>, %arg7: memref<3200xi32, #tpu.memory_space<vmem>>, %arg8: memref<3200xi32, #tpu.memory_space<vmem>>, %arg9: memref<16xf32, #tpu.memory_space<vmem>>, %arg10: memref<16xf32, #tpu.memory_space<vmem>>, %arg11: memref<16xf32, #tpu.memory_space<vmem>>, %arg12: memref<16xf32, #tpu.memory_space<vmem>>, %arg13: memref<16xf32, #tpu.memory_space<vmem>>, %arg14: memref<16xi32, #tpu.memory_space<vmem>>, %arg15: memref<16xf32, #tpu.memory_space<vmem_shared>>, %arg16: memref<!tpu.dma_semaphore, #tpu.memory_space<semaphore_mem>>) attributes {dimension_semantics = [#tpu.dimension_semantics<core_parallel>, #tpu.dimension_semantics<subcore_parallel>], iteration_bounds = array<i64: 2, 16>, scalar_prefetch = 0 : i64, scratch_operands = 11 : i64, tpu.core_type = #tpu.core_type<sc_vector_subcore>, window_params = [{transform_indices = #map}, {transform_indices = #map}, {transform_indices = #map}, {transform_indices = #map}]} {
    %mul3A = arith.constant 3200 : i32
    %mul3A_0 = arith.muli %arg1, %mul3A : i32
    %iota3A = tpu.iota {dimensions = array<i32: 0>} : vector<16xi32>
    %add3A = arith.constant 0 : i32
    %add3A_1 = arith.addi %add3A, %mul3A_0 : i32
    "tpu.region"() ({
      %run_scoped3A = tpu.sem_alloc : memref<!tpu.dma_semaphore, #tpu.memory_space<semaphore_mem>>
      %dma_start3A = arith.constant 0 : i32
      %dma_start3A_137 = tpu.memref_slice %arg6[%dma_start3A] : memref<32000xf32, #tpu.memory_space<vmem>> -> memref<3200xf32, #tpu.memory_space<vmem>>
      %dma_start3A_138 = tpu.memref_slice %arg2[%add3A_1] : memref<512000xf32, #tpu.memory_space<hbm>> -> memref<3200xf32, #tpu.memory_space<hbm>>
      %dma_start3A_139 = arith.constant 0 : i32
      %dma_start3A_140 = tpu.memref_slice %arg6[%dma_start3A_139] : memref<32000xf32, #tpu.memory_space<vmem>> -> memref<3200xf32, #tpu.memory_space<vmem>>
      %dma_start3A_141 = tpu.memref_slice %arg2[%add3A_1] : memref<512000xf32, #tpu.memory_space<hbm>> -> memref<3200xf32, #tpu.memory_space<hbm>>
      tpu.enqueue_dma source(%dma_start3A_141 : memref<3200xf32, #tpu.memory_space<hbm>>) target(%dma_start3A_140 : memref<3200xf32, #tpu.memory_space<vmem>>) target_semaphore(%run_scoped3A : memref<!tpu.dma_semaphore, #tpu.memory_space<semaphore_mem>>)
      %dma_wait3A = arith.constant 0 : i32
      %dma_wait3A_142 = tpu.memref_slice %arg6[%dma_wait3A] : memref<32000xf32, #tpu.memory_space<vmem>> -> memref<3200xf32, #tpu.memory_space<vmem>>
      %dma_wait3A_143 = tpu.memref_slice %arg2[%add3A_1] : memref<512000xf32, #tpu.memory_space<hbm>> -> memref<3200xf32, #tpu.memory_space<hbm>>
      %dma_wait3A_144 = arith.constant 0 : i32
      %dma_wait3A_145 = tpu.memref_slice %arg6[%dma_wait3A_144] : memref<32000xf32, #tpu.memory_space<vmem>> -> memref<3200xf32, #tpu.memory_space<vmem>>
      %dma_wait3A_146 = tpu.memref_slice %arg2[%add3A_1] : memref<512000xf32, #tpu.memory_space<hbm>> -> memref<3200xf32, #tpu.memory_space<hbm>>
      tpu.wait_dma2 semaphore(%run_scoped3A : memref<!tpu.dma_semaphore, #tpu.memory_space<semaphore_mem>>) src(%dma_wait3A_146 : memref<3200xf32, #tpu.memory_space<hbm>>) dst(%dma_wait3A_145 : memref<3200xf32, #tpu.memory_space<vmem>>)
      tpu.yield
    }) : () -> ()
    %add3A_2 = arith.constant 51200 : i32
    %add3A_3 = arith.addi %add3A_2, %mul3A_0 : i32
    "tpu.region"() ({
      %run_scoped3A = tpu.sem_alloc : memref<!tpu.dma_semaphore, #tpu.memory_space<semaphore_mem>>
      %dma_start3A = arith.constant 3200 : i32
      %dma_start3A_137 = tpu.memref_slice %arg6[%dma_start3A] : memref<32000xf32, #tpu.memory_space<vmem>> -> memref<3200xf32, #tpu.memory_space<vmem>>
      %dma_start3A_138 = tpu.memref_slice %arg2[%add3A_3] : memref<512000xf32, #tpu.memory_space<hbm>> -> memref<3200xf32, #tpu.memory_space<hbm>>
      %dma_start3A_139 = arith.constant 3200 : i32
      %dma_start3A_140 = tpu.memref_slice %arg6[%dma_start3A_139] : memref<32000xf32, #tpu.memory_space<vmem>> -> memref<3200xf32, #tpu.memory_space<vmem>>
      %dma_start3A_141 = tpu.memref_slice %arg2[%add3A_3] : memref<512000xf32, #tpu.memory_space<hbm>> -> memref<3200xf32, #tpu.memory_space<hbm>>
      tpu.enqueue_dma source(%dma_start3A_141 : memref<3200xf32, #tpu.memory_space<hbm>>) target(%dma_start3A_140 : memref<3200xf32, #tpu.memory_space<vmem>>) target_semaphore(%run_scoped3A : memref<!tpu.dma_semaphore, #tpu.memory_space<semaphore_mem>>)
      %dma_wait3A = arith.constant 3200 : i32
      %dma_wait3A_142 = tpu.memref_slice %arg6[%dma_wait3A] : memref<32000xf32, #tpu.memory_space<vmem>> -> memref<3200xf32, #tpu.memory_space<vmem>>
      %dma_wait3A_143 = tpu.memref_slice %arg2[%add3A_3] : memref<512000xf32, #tpu.memory_space<hbm>> -> memref<3200xf32, #tpu.memory_space<hbm>>
      %dma_wait3A_144 = arith.constant 3200 : i32
      %dma_wait3A_145 = tpu.memref_slice %arg6[%dma_wait3A_144] : memref<32000xf32, #tpu.memory_space<vmem>> -> memref<3200xf32, #tpu.memory_space<vmem>>
      %dma_wait3A_146 = tpu.memref_slice %arg2[%add3A_3] : memref<512000xf32, #tpu.memory_space<hbm>> -> memref<3200xf32, #tpu.memory_space<hbm>>
      tpu.wait_dma2 semaphore(%run_scoped3A : memref<!tpu.dma_semaphore, #tpu.memory_space<semaphore_mem>>) src(%dma_wait3A_146 : memref<3200xf32, #tpu.memory_space<hbm>>) dst(%dma_wait3A_145 : memref<3200xf32, #tpu.memory_space<vmem>>)
      tpu.yield
    }) : () -> ()
    %add3A_4 = arith.constant 102400 : i32
    %add3A_5 = arith.addi %add3A_4, %mul3A_0 : i32
    "tpu.region"() ({
      %run_scoped3A = tpu.sem_alloc : memref<!tpu.dma_semaphore, #tpu.memory_space<semaphore_mem>>
      %dma_start3A = arith.constant 6400 : i32
      %dma_start3A_137 = tpu.memref_slice %arg6[%dma_start3A] : memref<32000xf32, #tpu.memory_space<vmem>> -> memref<3200xf32, #tpu.memory_space<vmem>>
      %dma_start3A_138 = tpu.memref_slice %arg2[%add3A_5] : memref<512000xf32, #tpu.memory_space<hbm>> -> memref<3200xf32, #tpu.memory_space<hbm>>
      %dma_start3A_139 = arith.constant 6400 : i32
      %dma_start3A_140 = tpu.memref_slice %arg6[%dma_start3A_139] : memref<32000xf32, #tpu.memory_space<vmem>> -> memref<3200xf32, #tpu.memory_space<vmem>>
      %dma_start3A_141 = tpu.memref_slice %arg2[%add3A_5] : memref<512000xf32, #tpu.memory_space<hbm>> -> memref<3200xf32, #tpu.memory_space<hbm>>
      tpu.enqueue_dma source(%dma_start3A_141 : memref<3200xf32, #tpu.memory_space<hbm>>) target(%dma_start3A_140 : memref<3200xf32, #tpu.memory_space<vmem>>) target_semaphore(%run_scoped3A : memref<!tpu.dma_semaphore, #tpu.memory_space<semaphore_mem>>)
      %dma_wait3A = arith.constant 6400 : i32
      %dma_wait3A_142 = tpu.memref_slice %arg6[%dma_wait3A] : memref<32000xf32, #tpu.memory_space<vmem>> -> memref<3200xf32, #tpu.memory_space<vmem>>
      %dma_wait3A_143 = tpu.memref_slice %arg2[%add3A_5] : memref<512000xf32, #tpu.memory_space<hbm>> -> memref<3200xf32, #tpu.memory_space<hbm>>
      %dma_wait3A_144 = arith.constant 6400 : i32
      %dma_wait3A_145 = tpu.memref_slice %arg6[%dma_wait3A_144] : memref<32000xf32, #tpu.memory_space<vmem>> -> memref<3200xf32, #tpu.memory_space<vmem>>
      %dma_wait3A_146 = tpu.memref_slice %arg2[%add3A_5] : memref<512000xf32, #tpu.memory_space<hbm>> -> memref<3200xf32, #tpu.memory_space<hbm>>
      tpu.wait_dma2 semaphore(%run_scoped3A : memref<!tpu.dma_semaphore, #tpu.memory_space<semaphore_mem>>) src(%dma_wait3A_146 : memref<3200xf32, #tpu.memory_space<hbm>>) dst(%dma_wait3A_145 : memref<3200xf32, #tpu.memory_space<vmem>>)
      tpu.yield
    }) : () -> ()
    %add3A_6 = arith.constant 153600 : i32
    %add3A_7 = arith.addi %add3A_6, %mul3A_0 : i32
    "tpu.region"() ({
      %run_scoped3A = tpu.sem_alloc : memref<!tpu.dma_semaphore, #tpu.memory_space<semaphore_mem>>
      %dma_start3A = arith.constant 9600 : i32
      %dma_start3A_137 = tpu.memref_slice %arg6[%dma_start3A] : memref<32000xf32, #tpu.memory_space<vmem>> -> memref<3200xf32, #tpu.memory_space<vmem>>
      %dma_start3A_138 = tpu.memref_slice %arg2[%add3A_7] : memref<512000xf32, #tpu.memory_space<hbm>> -> memref<3200xf32, #tpu.memory_space<hbm>>
      %dma_start3A_139 = arith.constant 9600 : i32
      %dma_start3A_140 = tpu.memref_slice %arg6[%dma_start3A_139] : memref<32000xf32, #tpu.memory_space<vmem>> -> memref<3200xf32, #tpu.memory_space<vmem>>
      %dma_start3A_141 = tpu.memref_slice %arg2[%add3A_7] : memref<512000xf32, #tpu.memory_space<hbm>> -> memref<3200xf32, #tpu.memory_space<hbm>>
      tpu.enqueue_dma source(%dma_start3A_141 : memref<3200xf32, #tpu.memory_space<hbm>>) target(%dma_start3A_140 : memref<3200xf32, #tpu.memory_space<vmem>>) target_semaphore(%run_scoped3A : memref<!tpu.dma_semaphore, #tpu.memory_space<semaphore_mem>>)
      %dma_wait3A = arith.constant 9600 : i32
      %dma_wait3A_142 = tpu.memref_slice %arg6[%dma_wait3A] : memref<32000xf32, #tpu.memory_space<vmem>> -> memref<3200xf32, #tpu.memory_space<vmem>>
      %dma_wait3A_143 = tpu.memref_slice %arg2[%add3A_7] : memref<512000xf32, #tpu.memory_space<hbm>> -> memref<3200xf32, #tpu.memory_space<hbm>>
      %dma_wait3A_144 = arith.constant 9600 : i32
      %dma_wait3A_145 = tpu.memref_slice %arg6[%dma_wait3A_144] : memref<32000xf32, #tpu.memory_space<vmem>> -> memref<3200xf32, #tpu.memory_space<vmem>>
      %dma_wait3A_146 = tpu.memref_slice %arg2[%add3A_7] : memref<512000xf32, #tpu.memory_space<hbm>> -> memref<3200xf32, #tpu.memory_space<hbm>>
      tpu.wait_dma2 semaphore(%run_scoped3A : memref<!tpu.dma_semaphore, #tpu.memory_space<semaphore_mem>>) src(%dma_wait3A_146 : memref<3200xf32, #tpu.memory_space<hbm>>) dst(%dma_wait3A_145 : memref<3200xf32, #tpu.memory_space<vmem>>)
      tpu.yield
    }) : () -> ()
    %add3A_8 = arith.constant 204800 : i32
    %add3A_9 = arith.addi %add3A_8, %mul3A_0 : i32
    "tpu.region"() ({
      %run_scoped3A = tpu.sem_alloc : memref<!tpu.dma_semaphore, #tpu.memory_space<semaphore_mem>>
      %dma_start3A = arith.constant 12800 : i32
      %dma_start3A_137 = tpu.memref_slice %arg6[%dma_start3A] : memref<32000xf32, #tpu.memory_space<vmem>> -> memref<3200xf32, #tpu.memory_space<vmem>>
      %dma_start3A_138 = tpu.memref_slice %arg2[%add3A_9] : memref<512000xf32, #tpu.memory_space<hbm>> -> memref<3200xf32, #tpu.memory_space<hbm>>
      %dma_start3A_139 = arith.constant 12800 : i32
      %dma_start3A_140 = tpu.memref_slice %arg6[%dma_start3A_139] : memref<32000xf32, #tpu.memory_space<vmem>> -> memref<3200xf32, #tpu.memory_space<vmem>>
      %dma_start3A_141 = tpu.memref_slice %arg2[%add3A_9] : memref<512000xf32, #tpu.memory_space<hbm>> -> memref<3200xf32, #tpu.memory_space<hbm>>
      tpu.enqueue_dma source(%dma_start3A_141 : memref<3200xf32, #tpu.memory_space<hbm>>) target(%dma_start3A_140 : memref<3200xf32, #tpu.memory_space<vmem>>) target_semaphore(%run_scoped3A : memref<!tpu.dma_semaphore, #tpu.memory_space<semaphore_mem>>)
      %dma_wait3A = arith.constant 12800 : i32
      %dma_wait3A_142 = tpu.memref_slice %arg6[%dma_wait3A] : memref<32000xf32, #tpu.memory_space<vmem>> -> memref<3200xf32, #tpu.memory_space<vmem>>
      %dma_wait3A_143 = tpu.memref_slice %arg2[%add3A_9] : memref<512000xf32, #tpu.memory_space<hbm>> -> memref<3200xf32, #tpu.memory_space<hbm>>
      %dma_wait3A_144 = arith.constant 12800 : i32
      %dma_wait3A_145 = tpu.memref_slice %arg6[%dma_wait3A_144] : memref<32000xf32, #tpu.memory_space<vmem>> -> memref<3200xf32, #tpu.memory_space<vmem>>
      %dma_wait3A_146 = tpu.memref_slice %arg2[%add3A_9] : memref<512000xf32, #tpu.memory_space<hbm>> -> memref<3200xf32, #tpu.memory_space<hbm>>
      tpu.wait_dma2 semaphore(%run_scoped3A : memref<!tpu.dma_semaphore, #tpu.memory_space<semaphore_mem>>) src(%dma_wait3A_146 : memref<3200xf32, #tpu.memory_space<hbm>>) dst(%dma_wait3A_145 : memref<3200xf32, #tpu.memory_space<vmem>>)
      tpu.yield
    }) : () -> ()
    %add3A_10 = arith.constant 256000 : i32
    %add3A_11 = arith.addi %add3A_10, %mul3A_0 : i32
    "tpu.region"() ({
      %run_scoped3A = tpu.sem_alloc : memref<!tpu.dma_semaphore, #tpu.memory_space<semaphore_mem>>
      %dma_start3A = arith.constant 16000 : i32
      %dma_start3A_137 = tpu.memref_slice %arg6[%dma_start3A] : memref<32000xf32, #tpu.memory_space<vmem>> -> memref<3200xf32, #tpu.memory_space<vmem>>
      %dma_start3A_138 = tpu.memref_slice %arg2[%add3A_11] : memref<512000xf32, #tpu.memory_space<hbm>> -> memref<3200xf32, #tpu.memory_space<hbm>>
      %dma_start3A_139 = arith.constant 16000 : i32
      %dma_start3A_140 = tpu.memref_slice %arg6[%dma_start3A_139] : memref<32000xf32, #tpu.memory_space<vmem>> -> memref<3200xf32, #tpu.memory_space<vmem>>
      %dma_start3A_141 = tpu.memref_slice %arg2[%add3A_11] : memref<512000xf32, #tpu.memory_space<hbm>> -> memref<3200xf32, #tpu.memory_space<hbm>>
      tpu.enqueue_dma source(%dma_start3A_141 : memref<3200xf32, #tpu.memory_space<hbm>>) target(%dma_start3A_140 : memref<3200xf32, #tpu.memory_space<vmem>>) target_semaphore(%run_scoped3A : memref<!tpu.dma_semaphore, #tpu.memory_space<semaphore_mem>>)
      %dma_wait3A = arith.constant 16000 : i32
      %dma_wait3A_142 = tpu.memref_slice %arg6[%dma_wait3A] : memref<32000xf32, #tpu.memory_space<vmem>> -> memref<3200xf32, #tpu.memory_space<vmem>>
      %dma_wait3A_143 = tpu.memref_slice %arg2[%add3A_11] : memref<512000xf32, #tpu.memory_space<hbm>> -> memref<3200xf32, #tpu.memory_space<hbm>>
      %dma_wait3A_144 = arith.constant 16000 : i32
      %dma_wait3A_145 = tpu.memref_slice %arg6[%dma_wait3A_144] : memref<32000xf32, #tpu.memory_space<vmem>> -> memref<3200xf32, #tpu.memory_space<vmem>>
      %dma_wait3A_146 = tpu.memref_slice %arg2[%add3A_11] : memref<512000xf32, #tpu.memory_space<hbm>> -> memref<3200xf32, #tpu.memory_space<hbm>>
      tpu.wait_dma2 semaphore(%run_scoped3A : memref<!tpu.dma_semaphore, #tpu.memory_space<semaphore_mem>>) src(%dma_wait3A_146 : memref<3200xf32, #tpu.memory_space<hbm>>) dst(%dma_wait3A_145 : memref<3200xf32, #tpu.memory_space<vmem>>)
      tpu.yield
    }) : () -> ()
    %add3A_12 = arith.constant 307200 : i32
    %add3A_13 = arith.addi %add3A_12, %mul3A_0 : i32
    "tpu.region"() ({
      %run_scoped3A = tpu.sem_alloc : memref<!tpu.dma_semaphore, #tpu.memory_space<semaphore_mem>>
      %dma_start3A = arith.constant 19200 : i32
      %dma_start3A_137 = tpu.memref_slice %arg6[%dma_start3A] : memref<32000xf32, #tpu.memory_space<vmem>> -> memref<3200xf32, #tpu.memory_space<vmem>>
      %dma_start3A_138 = tpu.memref_slice %arg2[%add3A_13] : memref<512000xf32, #tpu.memory_space<hbm>> -> memref<3200xf32, #tpu.memory_space<hbm>>
      %dma_start3A_139 = arith.constant 19200 : i32
      %dma_start3A_140 = tpu.memref_slice %arg6[%dma_start3A_139] : memref<32000xf32, #tpu.memory_space<vmem>> -> memref<3200xf32, #tpu.memory_space<vmem>>
      %dma_start3A_141 = tpu.memref_slice %arg2[%add3A_13] : memref<512000xf32, #tpu.memory_space<hbm>> -> memref<3200xf32, #tpu.memory_space<hbm>>
      tpu.enqueue_dma source(%dma_start3A_141 : memref<3200xf32, #tpu.memory_space<hbm>>) target(%dma_start3A_140 : memref<3200xf32, #tpu.memory_space<vmem>>) target_semaphore(%run_scoped3A : memref<!tpu.dma_semaphore, #tpu.memory_space<semaphore_mem>>)
      %dma_wait3A = arith.constant 19200 : i32
      %dma_wait3A_142 = tpu.memref_slice %arg6[%dma_wait3A] : memref<32000xf32, #tpu.memory_space<vmem>> -> memref<3200xf32, #tpu.memory_space<vmem>>
      %dma_wait3A_143 = tpu.memref_slice %arg2[%add3A_13] : memref<512000xf32, #tpu.memory_space<hbm>> -> memref<3200xf32, #tpu.memory_space<hbm>>
      %dma_wait3A_144 = arith.constant 19200 : i32
      %dma_wait3A_145 = tpu.memref_slice %arg6[%dma_wait3A_144] : memref<32000xf32, #tpu.memory_space<vmem>> -> memref<3200xf32, #tpu.memory_space<vmem>>
      %dma_wait3A_146 = tpu.memref_slice %arg2[%add3A_13] : memref<512000xf32, #tpu.memory_space<hbm>> -> memref<3200xf32, #tpu.memory_space<hbm>>
      tpu.wait_dma2 semaphore(%run_scoped3A : memref<!tpu.dma_semaphore, #tpu.memory_space<semaphore_mem>>) src(%dma_wait3A_146 : memref<3200xf32, #tpu.memory_space<hbm>>) dst(%dma_wait3A_145 : memref<3200xf32, #tpu.memory_space<vmem>>)
      tpu.yield
    }) : () -> ()
    %add3A_14 = arith.constant 358400 : i32
    %add3A_15 = arith.addi %add3A_14, %mul3A_0 : i32
    "tpu.region"() ({
      %run_scoped3A = tpu.sem_alloc : memref<!tpu.dma_semaphore, #tpu.memory_space<semaphore_mem>>
      %dma_start3A = arith.constant 22400 : i32
      %dma_start3A_137 = tpu.memref_slice %arg6[%dma_start3A] : memref<32000xf32, #tpu.memory_space<vmem>> -> memref<3200xf32, #tpu.memory_space<vmem>>
      %dma_start3A_138 = tpu.memref_slice %arg2[%add3A_15] : memref<512000xf32, #tpu.memory_space<hbm>> -> memref<3200xf32, #tpu.memory_space<hbm>>
      %dma_start3A_139 = arith.constant 22400 : i32
      %dma_start3A_140 = tpu.memref_slice %arg6[%dma_start3A_139] : memref<32000xf32, #tpu.memory_space<vmem>> -> memref<3200xf32, #tpu.memory_space<vmem>>
      %dma_start3A_141 = tpu.memref_slice %arg2[%add3A_15] : memref<512000xf32, #tpu.memory_space<hbm>> -> memref<3200xf32, #tpu.memory_space<hbm>>
      tpu.enqueue_dma source(%dma_start3A_141 : memref<3200xf32, #tpu.memory_space<hbm>>) target(%dma_start3A_140 : memref<3200xf32, #tpu.memory_space<vmem>>) target_semaphore(%run_scoped3A : memref<!tpu.dma_semaphore, #tpu.memory_space<semaphore_mem>>)
      %dma_wait3A = arith.constant 22400 : i32
      %dma_wait3A_142 = tpu.memref_slice %arg6[%dma_wait3A] : memref<32000xf32, #tpu.memory_space<vmem>> -> memref<3200xf32, #tpu.memory_space<vmem>>
      %dma_wait3A_143 = tpu.memref_slice %arg2[%add3A_15] : memref<512000xf32, #tpu.memory_space<hbm>> -> memref<3200xf32, #tpu.memory_space<hbm>>
      %dma_wait3A_144 = arith.constant 22400 : i32
      %dma_wait3A_145 = tpu.memref_slice %arg6[%dma_wait3A_144] : memref<32000xf32, #tpu.memory_space<vmem>> -> memref<3200xf32, #tpu.memory_space<vmem>>
      %dma_wait3A_146 = tpu.memref_slice %arg2[%add3A_15] : memref<512000xf32, #tpu.memory_space<hbm>> -> memref<3200xf32, #tpu.memory_space<hbm>>
      tpu.wait_dma2 semaphore(%run_scoped3A : memref<!tpu.dma_semaphore, #tpu.memory_space<semaphore_mem>>) src(%dma_wait3A_146 : memref<3200xf32, #tpu.memory_space<hbm>>) dst(%dma_wait3A_145 : memref<3200xf32, #tpu.memory_space<vmem>>)
      tpu.yield
    }) : () -> ()
    %add3A_16 = arith.constant 409600 : i32
    %add3A_17 = arith.addi %add3A_16, %mul3A_0 : i32
    "tpu.region"() ({
      %run_scoped3A = tpu.sem_alloc : memref<!tpu.dma_semaphore, #tpu.memory_space<semaphore_mem>>
      %dma_start3A = arith.constant 25600 : i32
      %dma_start3A_137 = tpu.memref_slice %arg6[%dma_start3A] : memref<32000xf32, #tpu.memory_space<vmem>> -> memref<3200xf32, #tpu.memory_space<vmem>>
      %dma_start3A_138 = tpu.memref_slice %arg2[%add3A_17] : memref<512000xf32, #tpu.memory_space<hbm>> -> memref<3200xf32, #tpu.memory_space<hbm>>
      %dma_start3A_139 = arith.constant 25600 : i32
      %dma_start3A_140 = tpu.memref_slice %arg6[%dma_start3A_139] : memref<32000xf32, #tpu.memory_space<vmem>> -> memref<3200xf32, #tpu.memory_space<vmem>>
      %dma_start3A_141 = tpu.memref_slice %arg2[%add3A_17] : memref<512000xf32, #tpu.memory_space<hbm>> -> memref<3200xf32, #tpu.memory_space<hbm>>
      tpu.enqueue_dma source(%dma_start3A_141 : memref<3200xf32, #tpu.memory_space<hbm>>) target(%dma_start3A_140 : memref<3200xf32, #tpu.memory_space<vmem>>) target_semaphore(%run_scoped3A : memref<!tpu.dma_semaphore, #tpu.memory_space<semaphore_mem>>)
      %dma_wait3A = arith.constant 25600 : i32
      %dma_wait3A_142 = tpu.memref_slice %arg6[%dma_wait3A] : memref<32000xf32, #tpu.memory_space<vmem>> -> memref<3200xf32, #tpu.memory_space<vmem>>
      %dma_wait3A_143 = tpu.memref_slice %arg2[%add3A_17] : memref<512000xf32, #tpu.memory_space<hbm>> -> memref<3200xf32, #tpu.memory_space<hbm>>
      %dma_wait3A_144 = arith.constant 25600 : i32
      %dma_wait3A_145 = tpu.memref_slice %arg6[%dma_wait3A_144] : memref<32000xf32, #tpu.memory_space<vmem>> -> memref<3200xf32, #tpu.memory_space<vmem>>
      %dma_wait3A_146 = tpu.memref_slice %arg2[%add3A_17] : memref<512000xf32, #tpu.memory_space<hbm>> -> memref<3200xf32, #tpu.memory_space<hbm>>
      tpu.wait_dma2 semaphore(%run_scoped3A : memref<!tpu.dma_semaphore, #tpu.memory_space<semaphore_mem>>) src(%dma_wait3A_146 : memref<3200xf32, #tpu.memory_space<hbm>>) dst(%dma_wait3A_145 : memref<3200xf32, #tpu.memory_space<vmem>>)
      tpu.yield
    }) : () -> ()
    %add3A_18 = arith.constant 460800 : i32
    %add3A_19 = arith.addi %add3A_18, %mul3A_0 : i32
    "tpu.region"() ({
      %run_scoped3A = tpu.sem_alloc : memref<!tpu.dma_semaphore, #tpu.memory_space<semaphore_mem>>
      %dma_start3A = arith.constant 28800 : i32
      %dma_start3A_137 = tpu.memref_slice %arg6[%dma_start3A] : memref<32000xf32, #tpu.memory_space<vmem>> -> memref<3200xf32, #tpu.memory_space<vmem>>
      %dma_start3A_138 = tpu.memref_slice %arg2[%add3A_19] : memref<512000xf32, #tpu.memory_space<hbm>> -> memref<3200xf32, #tpu.memory_space<hbm>>
      %dma_start3A_139 = arith.constant 28800 : i32
      %dma_start3A_140 = tpu.memref_slice %arg6[%dma_start3A_139] : memref<32000xf32, #tpu.memory_space<vmem>> -> memref<3200xf32, #tpu.memory_space<vmem>>
      %dma_start3A_141 = tpu.memref_slice %arg2[%add3A_19] : memref<512000xf32, #tpu.memory_space<hbm>> -> memref<3200xf32, #tpu.memory_space<hbm>>
      tpu.enqueue_dma source(%dma_start3A_141 : memref<3200xf32, #tpu.memory_space<hbm>>) target(%dma_start3A_140 : memref<3200xf32, #tpu.memory_space<vmem>>) target_semaphore(%run_scoped3A : memref<!tpu.dma_semaphore, #tpu.memory_space<semaphore_mem>>)
      %dma_wait3A = arith.constant 28800 : i32
      %dma_wait3A_142 = tpu.memref_slice %arg6[%dma_wait3A] : memref<32000xf32, #tpu.memory_space<vmem>> -> memref<3200xf32, #tpu.memory_space<vmem>>
      %dma_wait3A_143 = tpu.memref_slice %arg2[%add3A_19] : memref<512000xf32, #tpu.memory_space<hbm>> -> memref<3200xf32, #tpu.memory_space<hbm>>
      %dma_wait3A_144 = arith.constant 28800 : i32
      %dma_wait3A_145 = tpu.memref_slice %arg6[%dma_wait3A_144] : memref<32000xf32, #tpu.memory_space<vmem>> -> memref<3200xf32, #tpu.memory_space<vmem>>
      %dma_wait3A_146 = tpu.memref_slice %arg2[%add3A_19] : memref<512000xf32, #tpu.memory_space<hbm>> -> memref<3200xf32, #tpu.memory_space<hbm>>
      tpu.wait_dma2 semaphore(%run_scoped3A : memref<!tpu.dma_semaphore, #tpu.memory_space<semaphore_mem>>) src(%dma_wait3A_146 : memref<3200xf32, #tpu.memory_space<hbm>>) dst(%dma_wait3A_145 : memref<3200xf32, #tpu.memory_space<vmem>>)
      tpu.yield
    }) : () -> ()
    "tpu.region"() ({
      %run_scoped3A = tpu.sem_alloc : memref<!tpu.dma_semaphore, #tpu.memory_space<semaphore_mem>>
      %dma_start3A = tpu.memref_slice %arg3[%mul3A_0] : memref<51200xi32, #tpu.memory_space<hbm>> -> memref<3200xi32, #tpu.memory_space<hbm>>
      %dma_start3A_137 = tpu.memref_slice %arg3[%mul3A_0] : memref<51200xi32, #tpu.memory_space<hbm>> -> memref<3200xi32, #tpu.memory_space<hbm>>
      tpu.enqueue_dma source(%dma_start3A_137 : memref<3200xi32, #tpu.memory_space<hbm>>) target(%arg8 : memref<3200xi32, #tpu.memory_space<vmem>>) target_semaphore(%run_scoped3A : memref<!tpu.dma_semaphore, #tpu.memory_space<semaphore_mem>>)
      %dma_wait3A = tpu.memref_slice %arg3[%mul3A_0] : memref<51200xi32, #tpu.memory_space<hbm>> -> memref<3200xi32, #tpu.memory_space<hbm>>
      %dma_wait3A_138 = tpu.memref_slice %arg3[%mul3A_0] : memref<51200xi32, #tpu.memory_space<hbm>> -> memref<3200xi32, #tpu.memory_space<hbm>>
      tpu.wait_dma2 semaphore(%run_scoped3A : memref<!tpu.dma_semaphore, #tpu.memory_space<semaphore_mem>>) src(%dma_wait3A_138 : memref<3200xi32, #tpu.memory_space<hbm>>) dst(%arg8 : memref<3200xi32, #tpu.memory_space<vmem>>)
      tpu.yield
    }) : () -> ()
    "tpu.region"() ({
      %run_scoped3A = tpu.sem_alloc : memref<!tpu.dma_semaphore, #tpu.memory_space<semaphore_mem>>
      tpu.enqueue_dma source(%arg4 : memref<16xf32, #tpu.memory_space<hbm>>) target(%arg9 : memref<16xf32, #tpu.memory_space<vmem>>) target_semaphore(%run_scoped3A : memref<!tpu.dma_semaphore, #tpu.memory_space<semaphore_mem>>)
      tpu.wait_dma2 semaphore(%run_scoped3A : memref<!tpu.dma_semaphore, #tpu.memory_space<semaphore_mem>>) src(%arg4 : memref<16xf32, #tpu.memory_space<hbm>>) dst(%arg9 : memref<16xf32, #tpu.memory_space<vmem>>)
      tpu.yield
    }) : () -> ()
    %swap3A = arith.constant 0 : index
    %swap3A_20 = tpu.vector_load %arg14[%swap3A] {strides = array<i32>} : memref<16xi32, #tpu.memory_space<vmem>>, vector<16xi32>,
    tpu.vector_store %arg14[%swap3A], %iota3A {strides = array<i32>} : memref<16xi32, #tpu.memory_space<vmem>>, vector<16xi32>,
    %broadcast_in_dim3A = arith.constant 0.000000e+00 : f32
    %broadcast_in_dim3A_21 = vector.broadcast %broadcast_in_dim3A : f32 to vector<16xf32>
    %swap3A_22 = arith.constant 0 : index
    %swap3A_23 = tpu.vector_load %arg13[%swap3A_22] {strides = array<i32>} : memref<16xf32, #tpu.memory_space<vmem>>, vector<16xf32>,
    tpu.vector_store %arg13[%swap3A_22], %broadcast_in_dim3A_21 {strides = array<i32>} : memref<16xf32, #tpu.memory_space<vmem>>, vector<16xf32>,
    %broadcast_in_dim3A_24 = arith.constant 0 : i32
    %broadcast_in_dim3A_25 = vector.broadcast %broadcast_in_dim3A_24 : i32 to vector<16xi32>
    %gather3A = tpu.vector_load_idx %arg9[%broadcast_in_dim3A_25] : memref<16xf32, #tpu.memory_space<vmem>>[vector<16xi32>], vector<16xf32>,
    %broadcast_in_dim3A_26 = arith.constant 1 : i32
    %broadcast_in_dim3A_27 = vector.broadcast %broadcast_in_dim3A_26 : i32 to vector<16xi32>
    %gather3A_28 = tpu.vector_load_idx %arg9[%broadcast_in_dim3A_27] : memref<16xf32, #tpu.memory_space<vmem>>[vector<16xi32>], vector<16xf32>,
    %broadcast_in_dim3A_29 = arith.constant 2 : i32
    %broadcast_in_dim3A_30 = vector.broadcast %broadcast_in_dim3A_29 : i32 to vector<16xi32>
    %gather3A_31 = tpu.vector_load_idx %arg9[%broadcast_in_dim3A_30] : memref<16xf32, #tpu.memory_space<vmem>>[vector<16xi32>], vector<16xf32>,
    %broadcast_in_dim3A_32 = arith.constant 3 : i32
    %broadcast_in_dim3A_33 = vector.broadcast %broadcast_in_dim3A_32 : i32 to vector<16xi32>
    %gather3A_34 = tpu.vector_load_idx %arg9[%broadcast_in_dim3A_33] : memref<16xf32, #tpu.memory_space<vmem>>[vector<16xi32>], vector<16xf32>,
    %broadcast_in_dim3A_35 = arith.constant 4 : i32
    %broadcast_in_dim3A_36 = vector.broadcast %broadcast_in_dim3A_35 : i32 to vector<16xi32>
    %gather3A_37 = tpu.vector_load_idx %arg9[%broadcast_in_dim3A_36] : memref<16xf32, #tpu.memory_space<vmem>>[vector<16xi32>], vector<16xf32>,
    %broadcast_in_dim3A_38 = arith.constant 5 : i32
    %broadcast_in_dim3A_39 = vector.broadcast %broadcast_in_dim3A_38 : i32 to vector<16xi32>
    %gather3A_40 = tpu.vector_load_idx %arg9[%broadcast_in_dim3A_39] : memref<16xf32, #tpu.memory_space<vmem>>[vector<16xi32>], vector<16xf32>,
    %broadcast_in_dim3A_41 = arith.constant 6 : i32
    %broadcast_in_dim3A_42 = vector.broadcast %broadcast_in_dim3A_41 : i32 to vector<16xi32>
    %gather3A_43 = tpu.vector_load_idx %arg9[%broadcast_in_dim3A_42] : memref<16xf32, #tpu.memory_space<vmem>>[vector<16xi32>], vector<16xf32>,
    %broadcast_in_dim3A_44 = arith.constant 7 : i32
    %broadcast_in_dim3A_45 = vector.broadcast %broadcast_in_dim3A_44 : i32 to vector<16xi32>
    %gather3A_46 = tpu.vector_load_idx %arg9[%broadcast_in_dim3A_45] : memref<16xf32, #tpu.memory_space<vmem>>[vector<16xi32>], vector<16xf32>,
    %broadcast_in_dim3A_47 = arith.constant 8 : i32
    %broadcast_in_dim3A_48 = vector.broadcast %broadcast_in_dim3A_47 : i32 to vector<16xi32>
    %gather3A_49 = tpu.vector_load_idx %arg9[%broadcast_in_dim3A_48] : memref<16xf32, #tpu.memory_space<vmem>>[vector<16xi32>], vector<16xf32>,
    %broadcast_in_dim3A_50 = arith.constant 9 : i32
    %broadcast_in_dim3A_51 = vector.broadcast %broadcast_in_dim3A_50 : i32 to vector<16xi32>
    %gather3A_52 = tpu.vector_load_idx %arg9[%broadcast_in_dim3A_51] : memref<16xf32, #tpu.memory_space<vmem>>[vector<16xi32>], vector<16xf32>,
    %broadcast_in_dim3A_53 = arith.constant 10 : i32
    %broadcast_in_dim3A_54 = vector.broadcast %broadcast_in_dim3A_53 : i32 to vector<16xi32>
    %gather3A_55 = tpu.vector_load_idx %arg9[%broadcast_in_dim3A_54] : memref<16xf32, #tpu.memory_space<vmem>>[vector<16xi32>], vector<16xf32>,
    %broadcast_in_dim3A_56 = arith.constant 11 : i32
    %broadcast_in_dim3A_57 = vector.broadcast %broadcast_in_dim3A_56 : i32 to vector<16xi32>
    %gather3A_58 = tpu.vector_load_idx %arg9[%broadcast_in_dim3A_57] : memref<16xf32, #tpu.memory_space<vmem>>[vector<16xi32>], vector<16xf32>,
    %broadcast_in_dim3A_59 = arith.constant 12 : i32
    %broadcast_in_dim3A_60 = vector.broadcast %broadcast_in_dim3A_59 : i32 to vector<16xi32>
    %gather3A_61 = tpu.vector_load_idx %arg9[%broadcast_in_dim3A_60] : memref<16xf32, #tpu.memory_space<vmem>>[vector<16xi32>], vector<16xf32>,
    %broadcast_in_dim3A_62 = arith.constant 13 : i32
    %broadcast_in_dim3A_63 = vector.broadcast %broadcast_in_dim3A_62 : i32 to vector<16xi32>
    %gather3A_64 = tpu.vector_load_idx %arg9[%broadcast_in_dim3A_63] : memref<16xf32, #tpu.memory_space<vmem>>[vector<16xi32>], vector<16xf32>,
    %broadcast_in_dim3A_65 = arith.constant 14 : i32
    %broadcast_in_dim3A_66 = vector.broadcast %broadcast_in_dim3A_65 : i32 to vector<16xi32>
    %gather3A_67 = tpu.vector_load_idx %arg9[%broadcast_in_dim3A_66] : memref<16xf32, #tpu.memory_space<vmem>>[vector<16xi32>], vector<16xf32>,
    %broadcast_in_dim3A_68 = arith.constant 15 : i32
    %broadcast_in_dim3A_69 = vector.broadcast %broadcast_in_dim3A_68 : i32 to vector<16xi32>
    %gather3A_70 = tpu.vector_load_idx %arg9[%broadcast_in_dim3A_69] : memref<16xf32, #tpu.memory_space<vmem>>[vector<16xi32>], vector<16xf32>,
    %broadcast_in_dim3A_71 = arith.constant 0.000000e+00 : f32
    %broadcast_in_dim3A_72 = vector.broadcast %broadcast_in_dim3A_71 : f32 to vector<16xf32>
    %swap3A_73 = arith.constant 0 : index
    %swap3A_74 = tpu.vector_load %arg11[%swap3A_73] {strides = array<i32>} : memref<16xf32, #tpu.memory_space<vmem>>, vector<16xf32>,
    tpu.vector_store %arg11[%swap3A_73], %broadcast_in_dim3A_72 {strides = array<i32>} : memref<16xf32, #tpu.memory_space<vmem>>, vector<16xf32>,
    %broadcast_in_dim3A_75 = arith.constant 0.000000e+00 : f32
    %broadcast_in_dim3A_76 = vector.broadcast %broadcast_in_dim3A_75 : f32 to vector<16xf32>
    %swap3A_77 = arith.constant 0 : index
    %swap3A_78 = tpu.vector_load %arg12[%swap3A_77] {strides = array<i32>} : memref<16xf32, #tpu.memory_space<vmem>>, vector<16xf32>,
    tpu.vector_store %arg12[%swap3A_77], %broadcast_in_dim3A_76 {strides = array<i32>} : memref<16xf32, #tpu.memory_space<vmem>>, vector<16xf32>,
    %scan3A = arith.constant 0 : i32
    %scan3A_79 = arith.constant 0 : i32
    %scan3A_80 = arith.constant 200 : i32
    %scan3A_81 = arith.addi %scan3A_79, %scan3A_80 : i32
    %scan3A_82 = arith.constant 1 : i32
    scf.for %scan3A_137 = %scan3A_79 to %scan3A_81 step %scan3A_82  : i32 {
      %mul3A_138 = arith.constant 16 : i32
      %mul3A_139 = arith.muli %scan3A_137, %mul3A_138 : i32
      %mul3A_140 = arith.constant 16 : i32
      %mul3A_141 = arith.muli %scan3A_137, %mul3A_140 : i32
      %add3A_142 = arith.constant 0 : i32
      %add3A_143 = arith.addi %add3A_142, %mul3A_141 : i32
      %get3A_144 = arith.index_cast %add3A_143 : i32 to index
      %get3A_145 = tpu.vector_load %arg6[%get3A_144] {strides = array<i32>} : memref<32000xf32, #tpu.memory_space<vmem>>, vector<16xf32>,
      %mul3A_146 = arith.constant 16 : i32
      %mul3A_147 = arith.muli %scan3A_137, %mul3A_146 : i32
      %add3A_148 = arith.constant 3200 : i32
      %add3A_149 = arith.addi %add3A_148, %mul3A_147 : i32
      %get3A_150 = arith.index_cast %add3A_149 : i32 to index
      %get3A_151 = tpu.vector_load %arg6[%get3A_150] {strides = array<i32>} : memref<32000xf32, #tpu.memory_space<vmem>>, vector<16xf32>,
      %mul3A_152 = arith.constant 16 : i32
      %mul3A_153 = arith.muli %scan3A_137, %mul3A_152 : i32
      %add3A_154 = arith.constant 6400 : i32
      %add3A_155 = arith.addi %add3A_154, %mul3A_153 : i32
      %get3A_156 = arith.index_cast %add3A_155 : i32 to index
      %get3A_157 = tpu.vector_load %arg6[%get3A_156] {strides = array<i32>} : memref<32000xf32, #tpu.memory_space<vmem>>, vector<16xf32>,
      %mul3A_158 = arith.constant 16 : i32
      %mul3A_159 = arith.muli %scan3A_137, %mul3A_158 : i32
      %add3A_160 = arith.constant 9600 : i32
      %add3A_161 = arith.addi %add3A_160, %mul3A_159 : i32
      %get3A_162 = arith.index_cast %add3A_161 : i32 to index
      %get3A_163 = tpu.vector_load %arg6[%get3A_162] {strides = array<i32>} : memref<32000xf32, #tpu.memory_space<vmem>>, vector<16xf32>,
      %mul3A_164 = arith.constant 16 : i32
      %mul3A_165 = arith.muli %scan3A_137, %mul3A_164 : i32
      %add3A_166 = arith.constant 12800 : i32
      %add3A_167 = arith.addi %add3A_166, %mul3A_165 : i32
      %get3A_168 = arith.index_cast %add3A_167 : i32 to index
      %get3A_169 = tpu.vector_load %arg6[%get3A_168] {strides = array<i32>} : memref<32000xf32, #tpu.memory_space<vmem>>, vector<16xf32>,
      %mul3A_170 = arith.constant 16 : i32
      %mul3A_171 = arith.muli %scan3A_137, %mul3A_170 : i32
      %add3A_172 = arith.constant 16000 : i32
      %add3A_173 = arith.addi %add3A_172, %mul3A_171 : i32
      %get3A_174 = arith.index_cast %add3A_173 : i32 to index
      %get3A_175 = tpu.vector_load %arg6[%get3A_174] {strides = array<i32>} : memref<32000xf32, #tpu.memory_space<vmem>>, vector<16xf32>,
      %mul3A_176 = arith.constant 16 : i32
      %mul3A_177 = arith.muli %scan3A_137, %mul3A_176 : i32
      %add3A_178 = arith.constant 19200 : i32
      %add3A_179 = arith.addi %add3A_178, %mul3A_177 : i32
      %get3A_180 = arith.index_cast %add3A_179 : i32 to index
      %get3A_181 = tpu.vector_load %arg6[%get3A_180] {strides = array<i32>} : memref<32000xf32, #tpu.memory_space<vmem>>, vector<16xf32>,
      %mul3A_182 = arith.constant 16 : i32
      %mul3A_183 = arith.muli %scan3A_137, %mul3A_182 : i32
      %add3A_184 = arith.constant 22400 : i32
      %add3A_185 = arith.addi %add3A_184, %mul3A_183 : i32
      %get3A_186 = arith.index_cast %add3A_185 : i32 to index
      %get3A_187 = tpu.vector_load %arg6[%get3A_186] {strides = array<i32>} : memref<32000xf32, #tpu.memory_space<vmem>>, vector<16xf32>,
      %mul3A_188 = arith.constant 16 : i32
      %mul3A_189 = arith.muli %scan3A_137, %mul3A_188 : i32
      %add3A_190 = arith.constant 25600 : i32
      %add3A_191 = arith.addi %add3A_190, %mul3A_189 : i32
      %get3A_192 = arith.index_cast %add3A_191 : i32 to index
      %get3A_193 = tpu.vector_load %arg6[%get3A_192] {strides = array<i32>} : memref<32000xf32, #tpu.memory_space<vmem>>, vector<16xf32>,
      %mul3A_194 = arith.constant 16 : i32
      %mul3A_195 = arith.muli %scan3A_137, %mul3A_194 : i32
      %add3A_196 = arith.constant 28800 : i32
      %add3A_197 = arith.addi %add3A_196, %mul3A_195 : i32
      %get3A_198 = arith.index_cast %add3A_197 : i32 to index
      %get3A_199 = tpu.vector_load %arg6[%get3A_198] {strides = array<i32>} : memref<32000xf32, #tpu.memory_space<vmem>>, vector<16xf32>,
      %max3A = arith.maximumf %get3A_145, %get3A_151 : vector<16xf32>
      %max3A_200 = arith.maximumf %max3A, %get3A_157 : vector<16xf32>
      %max3A_201 = arith.maximumf %max3A_200, %get3A_163 : vector<16xf32>
      %max3A_202 = arith.maximumf %max3A_201, %get3A_169 : vector<16xf32>
      %max3A_203 = arith.maximumf %max3A_202, %get3A_175 : vector<16xf32>
      %max3A_204 = arith.maximumf %max3A_203, %get3A_181 : vector<16xf32>
      %max3A_205 = arith.maximumf %max3A_204, %get3A_187 : vector<16xf32>
      %max3A_206 = arith.maximumf %max3A_205, %get3A_193 : vector<16xf32>
      %max3A_207 = arith.maximumf %max3A_206, %get3A_199 : vector<16xf32>
      %broadcast_in_dim3A_208 = arith.constant 0.000000e+00 : f32
      %broadcast_in_dim3A_209 = vector.broadcast %broadcast_in_dim3A_208 : f32 to vector<16xf32>
      %sub3A = arith.subf %get3A_145, %max3A_207 : vector<16xf32>
      %exp3A = math.exp %sub3A : vector<16xf32>
      %add3A_210 = arith.addf %broadcast_in_dim3A_209, %exp3A : vector<16xf32>
      %sub3A_211 = arith.subf %get3A_151, %max3A_207 : vector<16xf32>
      %exp3A_212 = math.exp %sub3A_211 : vector<16xf32>
      %add3A_213 = arith.addf %add3A_210, %exp3A_212 : vector<16xf32>
      %sub3A_214 = arith.subf %get3A_157, %max3A_207 : vector<16xf32>
      %exp3A_215 = math.exp %sub3A_214 : vector<16xf32>
      %add3A_216 = arith.addf %add3A_213, %exp3A_215 : vector<16xf32>
      %sub3A_217 = arith.subf %get3A_163, %max3A_207 : vector<16xf32>
      %exp3A_218 = math.exp %sub3A_217 : vector<16xf32>
      %add3A_219 = arith.addf %add3A_216, %exp3A_218 : vector<16xf32>
      %sub3A_220 = arith.subf %get3A_169, %max3A_207 : vector<16xf32>
      %exp3A_221 = math.exp %sub3A_220 : vector<16xf32>
      %add3A_222 = arith.addf %add3A_219, %exp3A_221 : vector<16xf32>
      %sub3A_223 = arith.subf %get3A_175, %max3A_207 : vector<16xf32>
      %exp3A_224 = math.exp %sub3A_223 : vector<16xf32>
      %add3A_225 = arith.addf %add3A_222, %exp3A_224 : vector<16xf32>
      %sub3A_226 = arith.subf %get3A_181, %max3A_207 : vector<16xf32>
      %exp3A_227 = math.exp %sub3A_226 : vector<16xf32>
      %add3A_228 = arith.addf %add3A_225, %exp3A_227 : vector<16xf32>
      %sub3A_229 = arith.subf %get3A_187, %max3A_207 : vector<16xf32>
      %exp3A_230 = math.exp %sub3A_229 : vector<16xf32>
      %add3A_231 = arith.addf %add3A_228, %exp3A_230 : vector<16xf32>
      %sub3A_232 = arith.subf %get3A_193, %max3A_207 : vector<16xf32>
      %exp3A_233 = math.exp %sub3A_232 : vector<16xf32>
      %add3A_234 = arith.addf %add3A_231, %exp3A_233 : vector<16xf32>
      %sub3A_235 = arith.subf %get3A_199, %max3A_207 : vector<16xf32>
      %exp3A_236 = math.exp %sub3A_235 : vector<16xf32>
      %add3A_237 = arith.addf %add3A_234, %exp3A_236 : vector<16xf32>
      %mul3A_238 = arith.constant 16 : i32
      %mul3A_239 = arith.muli %scan3A_137, %mul3A_238 : i32
      %add3A_240 = arith.constant 0 : i32
      %add3A_241 = arith.addi %add3A_240, %mul3A_239 : i32
      %swap3A_242 = arith.index_cast %add3A_241 : i32 to index
      %swap3A_243 = tpu.vector_load %arg6[%swap3A_242] {strides = array<i32>} : memref<32000xf32, #tpu.memory_space<vmem>>, vector<16xf32>,
      tpu.vector_store %arg6[%swap3A_242], %sub3A {strides = array<i32>} : memref<32000xf32, #tpu.memory_space<vmem>>, vector<16xf32>,
      %mul3A_244 = arith.constant 16 : i32
      %mul3A_245 = arith.muli %scan3A_137, %mul3A_244 : i32
      %add3A_246 = arith.constant 3200 : i32
      %add3A_247 = arith.addi %add3A_246, %mul3A_245 : i32
      %swap3A_248 = arith.index_cast %add3A_247 : i32 to index
      %swap3A_249 = tpu.vector_load %arg6[%swap3A_248] {strides = array<i32>} : memref<32000xf32, #tpu.memory_space<vmem>>, vector<16xf32>,
      tpu.vector_store %arg6[%swap3A_248], %sub3A_211 {strides = array<i32>} : memref<32000xf32, #tpu.memory_space<vmem>>, vector<16xf32>,
      %mul3A_250 = arith.constant 16 : i32
      %mul3A_251 = arith.muli %scan3A_137, %mul3A_250 : i32
      %add3A_252 = arith.constant 6400 : i32
      %add3A_253 = arith.addi %add3A_252, %mul3A_251 : i32
      %swap3A_254 = arith.index_cast %add3A_253 : i32 to index
      %swap3A_255 = tpu.vector_load %arg6[%swap3A_254] {strides = array<i32>} : memref<32000xf32, #tpu.memory_space<vmem>>, vector<16xf32>,
      tpu.vector_store %arg6[%swap3A_254], %sub3A_214 {strides = array<i32>} : memref<32000xf32, #tpu.memory_space<vmem>>, vector<16xf32>,
      %mul3A_256 = arith.constant 16 : i32
      %mul3A_257 = arith.muli %scan3A_137, %mul3A_256 : i32
      %add3A_258 = arith.constant 9600 : i32
      %add3A_259 = arith.addi %add3A_258, %mul3A_257 : i32
      %swap3A_260 = arith.index_cast %add3A_259 : i32 to index
      %swap3A_261 = tpu.vector_load %arg6[%swap3A_260] {strides = array<i32>} : memref<32000xf32, #tpu.memory_space<vmem>>, vector<16xf32>,
      tpu.vector_store %arg6[%swap3A_260], %sub3A_217 {strides = array<i32>} : memref<32000xf32, #tpu.memory_space<vmem>>, vector<16xf32>,
      %mul3A_262 = arith.constant 16 : i32
      %mul3A_263 = arith.muli %scan3A_137, %mul3A_262 : i32
      %add3A_264 = arith.constant 12800 : i32
      %add3A_265 = arith.addi %add3A_264, %mul3A_263 : i32
      %swap3A_266 = arith.index_cast %add3A_265 : i32 to index
      %swap3A_267 = tpu.vector_load %arg6[%swap3A_266] {strides = array<i32>} : memref<32000xf32, #tpu.memory_space<vmem>>, vector<16xf32>,
      tpu.vector_store %arg6[%swap3A_266], %sub3A_220 {strides = array<i32>} : memref<32000xf32, #tpu.memory_space<vmem>>, vector<16xf32>,
      %mul3A_268 = arith.constant 16 : i32
      %mul3A_269 = arith.muli %scan3A_137, %mul3A_268 : i32
      %add3A_270 = arith.constant 16000 : i32
      %add3A_271 = arith.addi %add3A_270, %mul3A_269 : i32
      %swap3A_272 = arith.index_cast %add3A_271 : i32 to index
      %swap3A_273 = tpu.vector_load %arg6[%swap3A_272] {strides = array<i32>} : memref<32000xf32, #tpu.memory_space<vmem>>, vector<16xf32>,
      tpu.vector_store %arg6[%swap3A_272], %sub3A_223 {strides = array<i32>} : memref<32000xf32, #tpu.memory_space<vmem>>, vector<16xf32>,
      %mul3A_274 = arith.constant 16 : i32
      %mul3A_275 = arith.muli %scan3A_137, %mul3A_274 : i32
      %add3A_276 = arith.constant 19200 : i32
      %add3A_277 = arith.addi %add3A_276, %mul3A_275 : i32
      %swap3A_278 = arith.index_cast %add3A_277 : i32 to index
      %swap3A_279 = tpu.vector_load %arg6[%swap3A_278] {strides = array<i32>} : memref<32000xf32, #tpu.memory_space<vmem>>, vector<16xf32>,
      tpu.vector_store %arg6[%swap3A_278], %sub3A_226 {strides = array<i32>} : memref<32000xf32, #tpu.memory_space<vmem>>, vector<16xf32>,
      %mul3A_280 = arith.constant 16 : i32
      %mul3A_281 = arith.muli %scan3A_137, %mul3A_280 : i32
      %add3A_282 = arith.constant 22400 : i32
      %add3A_283 = arith.addi %add3A_282, %mul3A_281 : i32
      %swap3A_284 = arith.index_cast %add3A_283 : i32 to index
      %swap3A_285 = tpu.vector_load %arg6[%swap3A_284] {strides = array<i32>} : memref<32000xf32, #tpu.memory_space<vmem>>, vector<16xf32>,
      tpu.vector_store %arg6[%swap3A_284], %sub3A_229 {strides = array<i32>} : memref<32000xf32, #tpu.memory_space<vmem>>, vector<16xf32>,
      %mul3A_286 = arith.constant 16 : i32
      %mul3A_287 = arith.muli %scan3A_137, %mul3A_286 : i32
      %add3A_288 = arith.constant 25600 : i32
      %add3A_289 = arith.addi %add3A_288, %mul3A_287 : i32
      %swap3A_290 = arith.index_cast %add3A_289 : i32 to index
      %swap3A_291 = tpu.vector_load %arg6[%swap3A_290] {strides = array<i32>} : memref<32000xf32, #tpu.memory_space<vmem>>, vector<16xf32>,
      tpu.vector_store %arg6[%swap3A_290], %sub3A_232 {strides = array<i32>} : memref<32000xf32, #tpu.memory_space<vmem>>, vector<16xf32>,
      %mul3A_292 = arith.constant 16 : i32
      %mul3A_293 = arith.muli %scan3A_137, %mul3A_292 : i32
      %add3A_294 = arith.constant 28800 : i32
      %add3A_295 = arith.addi %add3A_294, %mul3A_293 : i32
      %swap3A_296 = arith.index_cast %add3A_295 : i32 to index
      %swap3A_297 = tpu.vector_load %arg6[%swap3A_296] {strides = array<i32>} : memref<32000xf32, #tpu.memory_space<vmem>>, vector<16xf32>,
      tpu.vector_store %arg6[%swap3A_296], %sub3A_235 {strides = array<i32>} : memref<32000xf32, #tpu.memory_space<vmem>>, vector<16xf32>,
      %div3A_298 = arith.constant 1.000000e+00 : f32
      %div3A_299 = vector.broadcast %div3A_298 : f32 to vector<16xf32>
      %div3A_300 = arith.divf %div3A_299, %add3A_237 : vector<16xf32>
      %broadcast_in_dim3A_301 = arith.constant 10 : i32
      %broadcast_in_dim3A_302 = vector.broadcast %broadcast_in_dim3A_301 : i32 to vector<16xi32>
      %eq3A_303 = arith.cmpf oeq, %get3A_199, %max3A_207 : vector<16xf32>
      %jit3A = arith.constant 9 : i32
      %broadcast_in_dim3A_304 = vector.broadcast %jit3A : i32 to vector<16xi32>
      %select_n3A = arith.select %eq3A_303, %broadcast_in_dim3A_304, %broadcast_in_dim3A_302 : vector<16xi1>, vector<16xi32>
      %eq3A_305 = arith.cmpf oeq, %get3A_193, %max3A_207 : vector<16xf32>
      %jit3A_306 = arith.constant 8 : i32
      %broadcast_in_dim3A_307 = vector.broadcast %jit3A_306 : i32 to vector<16xi32>
      %select_n3A_308 = arith.select %eq3A_305, %broadcast_in_dim3A_307, %select_n3A : vector<16xi1>, vector<16xi32>
      %eq3A_309 = arith.cmpf oeq, %get3A_187, %max3A_207 : vector<16xf32>
      %jit3A_310 = arith.constant 7 : i32
      %broadcast_in_dim3A_311 = vector.broadcast %jit3A_310 : i32 to vector<16xi32>
      %select_n3A_312 = arith.select %eq3A_309, %broadcast_in_dim3A_311, %select_n3A_308 : vector<16xi1>, vector<16xi32>
      %eq3A_313 = arith.cmpf oeq, %get3A_181, %max3A_207 : vector<16xf32>
      %jit3A_314 = arith.constant 6 : i32
      %broadcast_in_dim3A_315 = vector.broadcast %jit3A_314 : i32 to vector<16xi32>
      %select_n3A_316 = arith.select %eq3A_313, %broadcast_in_dim3A_315, %select_n3A_312 : vector<16xi1>, vector<16xi32>
      %eq3A_317 = arith.cmpf oeq, %get3A_175, %max3A_207 : vector<16xf32>
      %jit3A_318 = arith.constant 5 : i32
      %broadcast_in_dim3A_319 = vector.broadcast %jit3A_318 : i32 to vector<16xi32>
      %select_n3A_320 = arith.select %eq3A_317, %broadcast_in_dim3A_319, %select_n3A_316 : vector<16xi1>, vector<16xi32>
      %eq3A_321 = arith.cmpf oeq, %get3A_169, %max3A_207 : vector<16xf32>
      %jit3A_322 = arith.constant 4 : i32
      %broadcast_in_dim3A_323 = vector.broadcast %jit3A_322 : i32 to vector<16xi32>
      %select_n3A_324 = arith.select %eq3A_321, %broadcast_in_dim3A_323, %select_n3A_320 : vector<16xi1>, vector<16xi32>
      %eq3A_325 = arith.cmpf oeq, %get3A_163, %max3A_207 : vector<16xf32>
      %jit3A_326 = arith.constant 3 : i32
      %broadcast_in_dim3A_327 = vector.broadcast %jit3A_326 : i32 to vector<16xi32>
      %select_n3A_328 = arith.select %eq3A_325, %broadcast_in_dim3A_327, %select_n3A_324 : vector<16xi1>, vector<16xi32>
      %eq3A_329 = arith.cmpf oeq, %get3A_157, %max3A_207 : vector<16xf32>
      %jit3A_330 = arith.constant 2 : i32
      %broadcast_in_dim3A_331 = vector.broadcast %jit3A_330 : i32 to vector<16xi32>
      %select_n3A_332 = arith.select %eq3A_329, %broadcast_in_dim3A_331, %select_n3A_328 : vector<16xi1>, vector<16xi32>
      %eq3A_333 = arith.cmpf oeq, %get3A_151, %max3A_207 : vector<16xf32>
      %jit3A_334 = arith.constant 1 : i32
      %broadcast_in_dim3A_335 = vector.broadcast %jit3A_334 : i32 to vector<16xi32>
      %select_n3A_336 = arith.select %eq3A_333, %broadcast_in_dim3A_335, %select_n3A_332 : vector<16xi1>, vector<16xi32>
      %eq3A_337 = arith.cmpf oeq, %get3A_145, %max3A_207 : vector<16xf32>
      %jit3A_338 = arith.constant 0 : i32
      %broadcast_in_dim3A_339 = vector.broadcast %jit3A_338 : i32 to vector<16xi32>
      %select_n3A_340 = arith.select %eq3A_337, %broadcast_in_dim3A_339, %select_n3A_336 : vector<16xi1>, vector<16xi32>
      %get3A_341 = arith.index_cast %mul3A_139 : i32 to index
      %get3A_342 = tpu.vector_load %arg8[%get3A_341] {strides = array<i32>} : memref<3200xi32, #tpu.memory_space<vmem>>, vector<16xi32>,
      %eq3A_343 = arith.cmpi eq, %select_n3A_340, %get3A_342 : vector<16xi32>
      %broadcast_in_dim3A_344 = arith.constant 0 : i32
      %broadcast_in_dim3A_345 = vector.broadcast %broadcast_in_dim3A_344 : i32 to vector<16xi32>
      %gt3A = arith.cmpf ogt, %div3A_300, %gather3A : vector<16xf32>
      %jit3A_346 = arith.constant 1 : i32
      %jit3A_347 = arith.constant 0 : i32
      %broadcast_in_dim3A_348 = vector.broadcast %jit3A_346 : i32 to vector<16xi32>
      %broadcast_in_dim3A_349 = vector.broadcast %jit3A_347 : i32 to vector<16xi32>
      %select_n3A_350 = arith.select %gt3A, %broadcast_in_dim3A_348, %broadcast_in_dim3A_349 : vector<16xi1>, vector<16xi32>
      %add3A_351 = arith.addi %broadcast_in_dim3A_345, %select_n3A_350 : vector<16xi32>
      %gt3A_352 = arith.cmpf ogt, %div3A_300, %gather3A_28 : vector<16xf32>
      %jit3A_353 = arith.constant 1 : i32
      %jit3A_354 = arith.constant 0 : i32
      %broadcast_in_dim3A_355 = vector.broadcast %jit3A_353 : i32 to vector<16xi32>
      %broadcast_in_dim3A_356 = vector.broadcast %jit3A_354 : i32 to vector<16xi32>
      %select_n3A_357 = arith.select %gt3A_352, %broadcast_in_dim3A_355, %broadcast_in_dim3A_356 : vector<16xi1>, vector<16xi32>
      %add3A_358 = arith.addi %add3A_351, %select_n3A_357 : vector<16xi32>
      %gt3A_359 = arith.cmpf ogt, %div3A_300, %gather3A_31 : vector<16xf32>
      %jit3A_360 = arith.constant 1 : i32
      %jit3A_361 = arith.constant 0 : i32
      %broadcast_in_dim3A_362 = vector.broadcast %jit3A_360 : i32 to vector<16xi32>
      %broadcast_in_dim3A_363 = vector.broadcast %jit3A_361 : i32 to vector<16xi32>
      %select_n3A_364 = arith.select %gt3A_359, %broadcast_in_dim3A_362, %broadcast_in_dim3A_363 : vector<16xi1>, vector<16xi32>
      %add3A_365 = arith.addi %add3A_358, %select_n3A_364 : vector<16xi32>
      %gt3A_366 = arith.cmpf ogt, %div3A_300, %gather3A_34 : vector<16xf32>
      %jit3A_367 = arith.constant 1 : i32
      %jit3A_368 = arith.constant 0 : i32
      %broadcast_in_dim3A_369 = vector.broadcast %jit3A_367 : i32 to vector<16xi32>
      %broadcast_in_dim3A_370 = vector.broadcast %jit3A_368 : i32 to vector<16xi32>
      %select_n3A_371 = arith.select %gt3A_366, %broadcast_in_dim3A_369, %broadcast_in_dim3A_370 : vector<16xi1>, vector<16xi32>
      %add3A_372 = arith.addi %add3A_365, %select_n3A_371 : vector<16xi32>
      %gt3A_373 = arith.cmpf ogt, %div3A_300, %gather3A_37 : vector<16xf32>
      %jit3A_374 = arith.constant 1 : i32
      %jit3A_375 = arith.constant 0 : i32
      %broadcast_in_dim3A_376 = vector.broadcast %jit3A_374 : i32 to vector<16xi32>
      %broadcast_in_dim3A_377 = vector.broadcast %jit3A_375 : i32 to vector<16xi32>
      %select_n3A_378 = arith.select %gt3A_373, %broadcast_in_dim3A_376, %broadcast_in_dim3A_377 : vector<16xi1>, vector<16xi32>
      %add3A_379 = arith.addi %add3A_372, %select_n3A_378 : vector<16xi32>
      %gt3A_380 = arith.cmpf ogt, %div3A_300, %gather3A_40 : vector<16xf32>
      %jit3A_381 = arith.constant 1 : i32
      %jit3A_382 = arith.constant 0 : i32
      %broadcast_in_dim3A_383 = vector.broadcast %jit3A_381 : i32 to vector<16xi32>
      %broadcast_in_dim3A_384 = vector.broadcast %jit3A_382 : i32 to vector<16xi32>
      %select_n3A_385 = arith.select %gt3A_380, %broadcast_in_dim3A_383, %broadcast_in_dim3A_384 : vector<16xi1>, vector<16xi32>
      %add3A_386 = arith.addi %add3A_379, %select_n3A_385 : vector<16xi32>
      %gt3A_387 = arith.cmpf ogt, %div3A_300, %gather3A_43 : vector<16xf32>
      %jit3A_388 = arith.constant 1 : i32
      %jit3A_389 = arith.constant 0 : i32
      %broadcast_in_dim3A_390 = vector.broadcast %jit3A_388 : i32 to vector<16xi32>
      %broadcast_in_dim3A_391 = vector.broadcast %jit3A_389 : i32 to vector<16xi32>
      %select_n3A_392 = arith.select %gt3A_387, %broadcast_in_dim3A_390, %broadcast_in_dim3A_391 : vector<16xi1>, vector<16xi32>
      %add3A_393 = arith.addi %add3A_386, %select_n3A_392 : vector<16xi32>
      %gt3A_394 = arith.cmpf ogt, %div3A_300, %gather3A_46 : vector<16xf32>
      %jit3A_395 = arith.constant 1 : i32
      %jit3A_396 = arith.constant 0 : i32
      %broadcast_in_dim3A_397 = vector.broadcast %jit3A_395 : i32 to vector<16xi32>
      %broadcast_in_dim3A_398 = vector.broadcast %jit3A_396 : i32 to vector<16xi32>
      %select_n3A_399 = arith.select %gt3A_394, %broadcast_in_dim3A_397, %broadcast_in_dim3A_398 : vector<16xi1>, vector<16xi32>
      %add3A_400 = arith.addi %add3A_393, %select_n3A_399 : vector<16xi32>
      %gt3A_401 = arith.cmpf ogt, %div3A_300, %gather3A_49 : vector<16xf32>
      %jit3A_402 = arith.constant 1 : i32
      %jit3A_403 = arith.constant 0 : i32
      %broadcast_in_dim3A_404 = vector.broadcast %jit3A_402 : i32 to vector<16xi32>
      %broadcast_in_dim3A_405 = vector.broadcast %jit3A_403 : i32 to vector<16xi32>
      %select_n3A_406 = arith.select %gt3A_401, %broadcast_in_dim3A_404, %broadcast_in_dim3A_405 : vector<16xi1>, vector<16xi32>
      %add3A_407 = arith.addi %add3A_400, %select_n3A_406 : vector<16xi32>
      %gt3A_408 = arith.cmpf ogt, %div3A_300, %gather3A_52 : vector<16xf32>
      %jit3A_409 = arith.constant 1 : i32
      %jit3A_410 = arith.constant 0 : i32
      %broadcast_in_dim3A_411 = vector.broadcast %jit3A_409 : i32 to vector<16xi32>
      %broadcast_in_dim3A_412 = vector.broadcast %jit3A_410 : i32 to vector<16xi32>
      %select_n3A_413 = arith.select %gt3A_408, %broadcast_in_dim3A_411, %broadcast_in_dim3A_412 : vector<16xi1>, vector<16xi32>
      %add3A_414 = arith.addi %add3A_407, %select_n3A_413 : vector<16xi32>
      %gt3A_415 = arith.cmpf ogt, %div3A_300, %gather3A_55 : vector<16xf32>
      %jit3A_416 = arith.constant 1 : i32
      %jit3A_417 = arith.constant 0 : i32
      %broadcast_in_dim3A_418 = vector.broadcast %jit3A_416 : i32 to vector<16xi32>
      %broadcast_in_dim3A_419 = vector.broadcast %jit3A_417 : i32 to vector<16xi32>
      %select_n3A_420 = arith.select %gt3A_415, %broadcast_in_dim3A_418, %broadcast_in_dim3A_419 : vector<16xi1>, vector<16xi32>
      %add3A_421 = arith.addi %add3A_414, %select_n3A_420 : vector<16xi32>
      %gt3A_422 = arith.cmpf ogt, %div3A_300, %gather3A_58 : vector<16xf32>
      %jit3A_423 = arith.constant 1 : i32
      %jit3A_424 = arith.constant 0 : i32
      %broadcast_in_dim3A_425 = vector.broadcast %jit3A_423 : i32 to vector<16xi32>
      %broadcast_in_dim3A_426 = vector.broadcast %jit3A_424 : i32 to vector<16xi32>
      %select_n3A_427 = arith.select %gt3A_422, %broadcast_in_dim3A_425, %broadcast_in_dim3A_426 : vector<16xi1>, vector<16xi32>
      %add3A_428 = arith.addi %add3A_421, %select_n3A_427 : vector<16xi32>
      %gt3A_429 = arith.cmpf ogt, %div3A_300, %gather3A_61 : vector<16xf32>
      %jit3A_430 = arith.constant 1 : i32
      %jit3A_431 = arith.constant 0 : i32
      %broadcast_in_dim3A_432 = vector.broadcast %jit3A_430 : i32 to vector<16xi32>
      %broadcast_in_dim3A_433 = vector.broadcast %jit3A_431 : i32 to vector<16xi32>
      %select_n3A_434 = arith.select %gt3A_429, %broadcast_in_dim3A_432, %broadcast_in_dim3A_433 : vector<16xi1>, vector<16xi32>
      %add3A_435 = arith.addi %add3A_428, %select_n3A_434 : vector<16xi32>
      %gt3A_436 = arith.cmpf ogt, %div3A_300, %gather3A_64 : vector<16xf32>
      %jit3A_437 = arith.constant 1 : i32
      %jit3A_438 = arith.constant 0 : i32
      %broadcast_in_dim3A_439 = vector.broadcast %jit3A_437 : i32 to vector<16xi32>
      %broadcast_in_dim3A_440 = vector.broadcast %jit3A_438 : i32 to vector<16xi32>
      %select_n3A_441 = arith.select %gt3A_436, %broadcast_in_dim3A_439, %broadcast_in_dim3A_440 : vector<16xi1>, vector<16xi32>
      %add3A_442 = arith.addi %add3A_435, %select_n3A_441 : vector<16xi32>
      %gt3A_443 = arith.cmpf ogt, %div3A_300, %gather3A_67 : vector<16xf32>
      %jit3A_444 = arith.constant 1 : i32
      %jit3A_445 = arith.constant 0 : i32
      %broadcast_in_dim3A_446 = vector.broadcast %jit3A_444 : i32 to vector<16xi32>
      %broadcast_in_dim3A_447 = vector.broadcast %jit3A_445 : i32 to vector<16xi32>
      %select_n3A_448 = arith.select %gt3A_443, %broadcast_in_dim3A_446, %broadcast_in_dim3A_447 : vector<16xi1>, vector<16xi32>
      %add3A_449 = arith.addi %add3A_442, %select_n3A_448 : vector<16xi32>
      %gt3A_450 = arith.cmpf ogt, %div3A_300, %gather3A_70 : vector<16xf32>
      %jit3A_451 = arith.constant 1 : i32
      %jit3A_452 = arith.constant 0 : i32
      %broadcast_in_dim3A_453 = vector.broadcast %jit3A_451 : i32 to vector<16xi32>
      %broadcast_in_dim3A_454 = vector.broadcast %jit3A_452 : i32 to vector<16xi32>
      %select_n3A_455 = arith.select %gt3A_450, %broadcast_in_dim3A_453, %broadcast_in_dim3A_454 : vector<16xi1>, vector<16xi32>
      %add3A_456 = arith.addi %add3A_449, %select_n3A_455 : vector<16xi32>
      %mul3A_457 = arith.constant 16 : i32
      %mul3A_458 = arith.muli %scan3A_137, %mul3A_457 : i32
      %add3A_459 = arith.addi %mul3A_0, %mul3A_458 : i32
      %add3A_460 = vector.broadcast %add3A_459 : i32 to vector<16xi32>
      %add3A_461 = arith.addi %add3A_460, %iota3A : vector<16xi32>
      %lt3A_462 = arith.constant 50000 : i32
      %lt3A_463 = vector.broadcast %lt3A_462 : i32 to vector<16xi32>
      %lt3A_464 = arith.cmpi slt, %add3A_461, %lt3A_463 : vector<16xi32>
      %sub3A_465 = arith.constant 1 : i32
      %sub3A_466 = vector.broadcast %sub3A_465 : i32 to vector<16xi32>
      %sub3A_467 = arith.subi %add3A_456, %sub3A_466 : vector<16xi32>
      %jit3A_468 = arith.constant 15 : i32
      %broadcast_in_dim3A_469 = vector.broadcast %jit3A_468 : i32 to vector<16xi32>
      %select_n3A_470 = arith.select %lt3A_464, %sub3A_467, %broadcast_in_dim3A_469 : vector<16xi1>, vector<16xi32>
      %swap3A_471 = arith.index_cast %mul3A_139 : i32 to index
      %swap3A_472 = tpu.vector_load %arg7[%swap3A_471] {strides = array<i32>} : memref<3200xi32, #tpu.memory_space<vmem>>, vector<16xi32>,
      tpu.vector_store %arg7[%swap3A_471], %select_n3A_470 {strides = array<i32>} : memref<3200xi32, #tpu.memory_space<vmem>>, vector<16xi32>,
      %broadcast_in_dim3A_473 = arith.constant 1.000000e+00 : f32
      %broadcast_in_dim3A_474 = vector.broadcast %broadcast_in_dim3A_473 : f32 to vector<16xf32>
      tpu.vector_store_idx %arg11[%select_n3A_470], %broadcast_in_dim3A_474 {add = true} : memref<16xf32, #tpu.memory_space<vmem>>[vector<16xi32>], vector<16xf32>,
      %lt3A_475 = arith.constant 50000 : i32
      %lt3A_476 = vector.broadcast %lt3A_475 : i32 to vector<16xi32>
      %lt3A_477 = arith.cmpi slt, %add3A_461, %lt3A_476 : vector<16xi32>
      %and3A_478 = arith.andi %eq3A_343, %lt3A_477 : vector<16xi1>
      %jit3A_479 = arith.constant 1.000000e+00 : f32
      %jit3A_480 = arith.constant 0.000000e+00 : f32
      %broadcast_in_dim3A_481 = vector.broadcast %jit3A_479 : f32 to vector<16xf32>
      %broadcast_in_dim3A_482 = vector.broadcast %jit3A_480 : f32 to vector<16xf32>
      %select_n3A_483 = arith.select %and3A_478, %broadcast_in_dim3A_481, %broadcast_in_dim3A_482 : vector<16xi1>, vector<16xf32>
      tpu.vector_store_idx %arg12[%select_n3A_470], %select_n3A_483 {add = true} : memref<16xf32, #tpu.memory_space<vmem>>[vector<16xi32>], vector<16xf32>,
    }
    %scan3A_83 = arith.constant 200 : i32
    %eq3A = arith.constant 0 : i32
    %eq3A_84 = arith.cmpi eq, %arg1, %eq3A : i32
    %convert_element_type3A = arith.extui %eq3A_84 : i1 to i32
    %cond3A = arith.constant 0 : i32
    %cond3A_85 = arith.cmpi ne, %convert_element_type3A, %cond3A : i32
    scf.if %cond3A_85 {
      "tpu.region"() ({
        %run_scoped3A = tpu.sem_alloc : memref<!tpu.dma_semaphore, #tpu.memory_space<semaphore_mem>>
        tpu.enqueue_dma source(%arg13 : memref<16xf32, #tpu.memory_space<vmem>>) target(%arg15 : memref<16xf32, #tpu.memory_space<vmem_shared>>) target_semaphore(%run_scoped3A : memref<!tpu.dma_semaphore, #tpu.memory_space<semaphore_mem>>)
        tpu.wait_dma2 semaphore(%run_scoped3A : memref<!tpu.dma_semaphore, #tpu.memory_space<semaphore_mem>>) src(%arg13 : memref<16xf32, #tpu.memory_space<vmem>>) dst(%arg15 : memref<16xf32, #tpu.memory_space<vmem_shared>>)
        tpu.yield
      }) : () -> ()
    } else {
    }
    %barrier3A = arith.constant 0 : index
    tpu.barrier barrier_id(%barrier3A)
    "tpu.region"() ({
      %run_scoped3A = tpu.sem_alloc : memref<!tpu.dma_semaphore, #tpu.memory_space<semaphore_mem>>
      %dma_start3A = arith.constant 0 : i32
      %dma_start3A_137 = tpu.memref_slice %arg15[%dma_start3A] : memref<16xf32, #tpu.memory_space<vmem_shared>> -> memref<16xf32, #tpu.memory_space<vmem_shared>>
      tpu.enqueue_indirect_dma source(%arg11 : memref<16xf32, #tpu.memory_space<vmem>>) target(%dma_start3A_137 : memref<16xf32, #tpu.memory_space<vmem_shared>>) offsets(%arg14 : memref<16xi32, #tpu.memory_space<vmem>>) semaphore(%run_scoped3A : memref<!tpu.dma_semaphore, #tpu.memory_space<semaphore_mem>>) {add = true}
      %dma_wait3A = arith.constant 0 : i32
      %dma_wait3A_138 = tpu.memref_slice %arg15[%dma_wait3A] : memref<16xf32, #tpu.memory_space<vmem_shared>> -> memref<16xf32, #tpu.memory_space<vmem_shared>>
      tpu.wait_indirect_dma semaphore(%run_scoped3A : memref<!tpu.dma_semaphore, #tpu.memory_space<semaphore_mem>>) src(%arg11 : memref<16xf32, #tpu.memory_space<vmem>>) dst(%dma_wait3A_138 : memref<16xf32, #tpu.memory_space<vmem_shared>>)
      tpu.yield
    }) : () -> ()
    %barrier3A_86 = arith.constant 0 : index
    tpu.barrier barrier_id(%barrier3A_86)
    "tpu.region"() ({
      %run_scoped3A = tpu.sem_alloc : memref<!tpu.dma_semaphore, #tpu.memory_space<semaphore_mem>>
      tpu.enqueue_dma source(%arg15 : memref<16xf32, #tpu.memory_space<vmem_shared>>) target(%arg11 : memref<16xf32, #tpu.memory_space<vmem>>) target_semaphore(%run_scoped3A : memref<!tpu.dma_semaphore, #tpu.memory_space<semaphore_mem>>)
      tpu.wait_dma2 semaphore(%run_scoped3A : memref<!tpu.dma_semaphore, #tpu.memory_space<semaphore_mem>>) src(%arg15 : memref<16xf32, #tpu.memory_space<vmem_shared>>) dst(%arg11 : memref<16xf32, #tpu.memory_space<vmem>>)
      tpu.yield
    }) : () -> ()
    %barrier3A_87 = arith.constant 0 : index
    tpu.barrier barrier_id(%barrier3A_87)
    %eq3A_88 = arith.constant 0 : i32
    %eq3A_89 = arith.cmpi eq, %arg1, %eq3A_88 : i32
    %convert_element_type3A_90 = arith.extui %eq3A_89 : i1 to i32
    %cond3A_91 = arith.constant 0 : i32
    %cond3A_92 = arith.cmpi ne, %convert_element_type3A_90, %cond3A_91 : i32
    scf.if %cond3A_92 {
      "tpu.region"() ({
        %run_scoped3A = tpu.sem_alloc : memref<!tpu.dma_semaphore, #tpu.memory_space<semaphore_mem>>
        tpu.enqueue_dma source(%arg13 : memref<16xf32, #tpu.memory_space<vmem>>) target(%arg15 : memref<16xf32, #tpu.memory_space<vmem_shared>>) target_semaphore(%run_scoped3A : memref<!tpu.dma_semaphore, #tpu.memory_space<semaphore_mem>>)
        tpu.wait_dma2 semaphore(%run_scoped3A : memref<!tpu.dma_semaphore, #tpu.memory_space<semaphore_mem>>) src(%arg13 : memref<16xf32, #tpu.memory_space<vmem>>) dst(%arg15 : memref<16xf32, #tpu.memory_space<vmem_shared>>)
        tpu.yield
      }) : () -> ()
    } else {
    }
    %barrier3A_93 = arith.constant 0 : index
    tpu.barrier barrier_id(%barrier3A_93)
    "tpu.region"() ({
      %run_scoped3A = tpu.sem_alloc : memref<!tpu.dma_semaphore, #tpu.memory_space<semaphore_mem>>
      %dma_start3A = arith.constant 0 : i32
      %dma_start3A_137 = tpu.memref_slice %arg15[%dma_start3A] : memref<16xf32, #tpu.memory_space<vmem_shared>> -> memref<16xf32, #tpu.memory_space<vmem_shared>>
      tpu.enqueue_indirect_dma source(%arg12 : memref<16xf32, #tpu.memory_space<vmem>>) target(%dma_start3A_137 : memref<16xf32, #tpu.memory_space<vmem_shared>>) offsets(%arg14 : memref<16xi32, #tpu.memory_space<vmem>>) semaphore(%run_scoped3A : memref<!tpu.dma_semaphore, #tpu.memory_space<semaphore_mem>>) {add = true}
      %dma_wait3A = arith.constant 0 : i32
      %dma_wait3A_138 = tpu.memref_slice %arg15[%dma_wait3A] : memref<16xf32, #tpu.memory_space<vmem_shared>> -> memref<16xf32, #tpu.memory_space<vmem_shared>>
      tpu.wait_indirect_dma semaphore(%run_scoped3A : memref<!tpu.dma_semaphore, #tpu.memory_space<semaphore_mem>>) src(%arg12 : memref<16xf32, #tpu.memory_space<vmem>>) dst(%dma_wait3A_138 : memref<16xf32, #tpu.memory_space<vmem_shared>>)
      tpu.yield
    }) : () -> ()
    %barrier3A_94 = arith.constant 0 : index
    tpu.barrier barrier_id(%barrier3A_94)
    "tpu.region"() ({
      %run_scoped3A = tpu.sem_alloc : memref<!tpu.dma_semaphore, #tpu.memory_space<semaphore_mem>>
      tpu.enqueue_dma source(%arg15 : memref<16xf32, #tpu.memory_space<vmem_shared>>) target(%arg12 : memref<16xf32, #tpu.memory_space<vmem>>) target_semaphore(%run_scoped3A : memref<!tpu.dma_semaphore, #tpu.memory_space<semaphore_mem>>)
      tpu.wait_dma2 semaphore(%run_scoped3A : memref<!tpu.dma_semaphore, #tpu.memory_space<semaphore_mem>>) src(%arg15 : memref<16xf32, #tpu.memory_space<vmem_shared>>) dst(%arg12 : memref<16xf32, #tpu.memory_space<vmem>>)
      tpu.yield
    }) : () -> ()
    %get3A = arith.constant 0 : index
    %get3A_95 = tpu.vector_load %arg11[%get3A] {strides = array<i32>} : memref<16xf32, #tpu.memory_space<vmem>>, vector<16xf32>,
    %get3A_96 = arith.constant 0 : index
    %get3A_97 = tpu.vector_load %arg12[%get3A_96] {strides = array<i32>} : memref<16xf32, #tpu.memory_space<vmem>>, vector<16xf32>,
    %div3A = arith.divf %get3A_97, %get3A_95 : vector<16xf32>
    %mul3A_98 = arith.constant 8 : i32
    %mul3A_99 = arith.muli %arg0, %mul3A_98 : i32
    %ge3A = vector.broadcast %mul3A_99 : i32 to vector<16xi32>
    %ge3A_100 = arith.cmpi sge, %iota3A, %ge3A : vector<16xi32>
    %add3A_101 = arith.constant 8 : i32
    %add3A_102 = arith.addi %mul3A_99, %add3A_101 : i32
    %min3A = arith.constant 15 : i32
    %min3A_103 = arith.minsi %add3A_102, %min3A : i32
    %lt3A = vector.broadcast %min3A_103 : i32 to vector<16xi32>
    %lt3A_104 = arith.cmpi slt, %iota3A, %lt3A : vector<16xi32>
    %and3A = arith.andi %ge3A_100, %lt3A_104 : vector<16xi1>
    %broadcast_in_dim3A_105 = arith.constant 9.99999993E-9 : f32
    %broadcast_in_dim3A_106 = vector.broadcast %broadcast_in_dim3A_105 : f32 to vector<16xf32>
    %broadcast_in_dim3A_107 = arith.constant 5.000000e+00 : f32
    %broadcast_in_dim3A_108 = vector.broadcast %broadcast_in_dim3A_107 : f32 to vector<16xf32>
    %broadcast_in_dim3A_109 = arith.constant 1.000000e+00 : f32
    %broadcast_in_dim3A_110 = vector.broadcast %broadcast_in_dim3A_109 : f32 to vector<16xf32>
    %broadcast_in_dim3A_111 = arith.constant false
    %broadcast_in_dim3A_112 = vector.broadcast %broadcast_in_dim3A_111 : i1 to vector<16xi1>
    %scan3A_113 = arith.constant 0 : i32
    %scan3A_114 = arith.constant 20 : i32
    %scan3A_115 = arith.addi %scan3A_113, %scan3A_114 : i32
    %scan3A_116 = arith.constant 1 : i32
    %scan3A_117:4 = scf.for %scan3A_137 = %scan3A_113 to %scan3A_115 step %scan3A_116 iter_args(%scan3A_138 = %broadcast_in_dim3A_106, %scan3A_139 = %broadcast_in_dim3A_108, %scan3A_140 = %broadcast_in_dim3A_110, %scan3A_141 = %broadcast_in_dim3A_112) -> (vector<16xf32>, vector<16xf32>, vector<16xf32>, vector<16xi1>)  : i32 {
      %add3A_142 = arith.addf %scan3A_138, %scan3A_139 : vector<16xf32>
      %mul3A_143 = arith.constant 5.000000e-01 : f32
      %mul3A_144 = vector.broadcast %mul3A_143 : f32 to vector<16xf32>
      %mul3A_145 = arith.mulf %add3A_142, %mul3A_144 : vector<16xf32>
      %div3A_146 = arith.constant 1.000000e+00 : f32
      %div3A_147 = vector.broadcast %div3A_146 : f32 to vector<16xf32>
      %div3A_148 = arith.divf %div3A_147, %mul3A_145 : vector<16xf32>
      %jit3A = arith.constant 1.000000e+00 : f32
      %broadcast_in_dim3A_149 = vector.broadcast %jit3A : f32 to vector<16xf32>
      %select_n3A = arith.select %and3A, %div3A_148, %broadcast_in_dim3A_149 : vector<16xi1>, vector<16xf32>
      %swap3A_150 = arith.constant 0 : index
      %swap3A_151 = tpu.vector_load %arg10[%swap3A_150] {strides = array<i32>} : memref<16xf32, #tpu.memory_space<vmem>>, vector<16xf32>,
      tpu.vector_store %arg10[%swap3A_150], %select_n3A {strides = array<i32>} : memref<16xf32, #tpu.memory_space<vmem>>, vector<16xf32>,
      %broadcast_in_dim3A_152 = arith.constant 0.000000e+00 : f32
      %broadcast_in_dim3A_153 = vector.broadcast %broadcast_in_dim3A_152 : f32 to vector<16xf32>
      %swap3A_154 = arith.constant 0 : index
      %swap3A_155 = tpu.vector_load %arg11[%swap3A_154] {strides = array<i32>} : memref<16xf32, #tpu.memory_space<vmem>>, vector<16xf32>,
      tpu.vector_store %arg11[%swap3A_154], %broadcast_in_dim3A_153 {strides = array<i32>} : memref<16xf32, #tpu.memory_space<vmem>>, vector<16xf32>,
      %scan3A_156 = arith.constant 0 : i32
      %scan3A_157 = arith.constant 0 : i32
      %scan3A_158 = arith.constant 200 : i32
      %scan3A_159 = arith.addi %scan3A_157, %scan3A_158 : i32
      %scan3A_160 = arith.constant 1 : i32
      scf.for %scan3A_181 = %scan3A_157 to %scan3A_159 step %scan3A_160  : i32 {
        %mul3A_182 = arith.constant 16 : i32
        %mul3A_183 = arith.muli %scan3A_181, %mul3A_182 : i32
        %get3A_184 = arith.index_cast %mul3A_183 : i32 to index
        %get3A_185 = tpu.vector_load %arg7[%get3A_184] {strides = array<i32>} : memref<3200xi32, #tpu.memory_space<vmem>>, vector<16xi32>,
        %gather3A_186 = tpu.vector_load_idx %arg10[%get3A_185] : memref<16xf32, #tpu.memory_space<vmem>>[vector<16xi32>], vector<16xf32>,
        %broadcast_in_dim3A_187 = arith.constant 0.000000e+00 : f32
        %broadcast_in_dim3A_188 = vector.broadcast %broadcast_in_dim3A_187 : f32 to vector<16xf32>
        %mul3A_189 = arith.constant 16 : i32
        %mul3A_190 = arith.muli %scan3A_181, %mul3A_189 : i32
        %add3A_191 = arith.constant 0 : i32
        %add3A_192 = arith.addi %add3A_191, %mul3A_190 : i32
        %get3A_193 = arith.index_cast %add3A_192 : i32 to index
        %get3A_194 = tpu.vector_load %arg6[%get3A_193] {strides = array<i32>} : memref<32000xf32, #tpu.memory_space<vmem>>, vector<16xf32>,
        %mul3A_195 = arith.mulf %get3A_194, %gather3A_186 : vector<16xf32>
        %exp3A = math.exp %mul3A_195 : vector<16xf32>
        %add3A_196 = arith.addf %broadcast_in_dim3A_188, %exp3A : vector<16xf32>
        %mul3A_197 = arith.constant 16 : i32
        %mul3A_198 = arith.muli %scan3A_181, %mul3A_197 : i32
        %add3A_199 = arith.constant 3200 : i32
        %add3A_200 = arith.addi %add3A_199, %mul3A_198 : i32
        %get3A_201 = arith.index_cast %add3A_200 : i32 to index
        %get3A_202 = tpu.vector_load %arg6[%get3A_201] {strides = array<i32>} : memref<32000xf32, #tpu.memory_space<vmem>>, vector<16xf32>,
        %mul3A_203 = arith.mulf %get3A_202, %gather3A_186 : vector<16xf32>
        %exp3A_204 = math.exp %mul3A_203 : vector<16xf32>
        %add3A_205 = arith.addf %add3A_196, %exp3A_204 : vector<16xf32>
        %mul3A_206 = arith.constant 16 : i32
        %mul3A_207 = arith.muli %scan3A_181, %mul3A_206 : i32
        %add3A_208 = arith.constant 6400 : i32
        %add3A_209 = arith.addi %add3A_208, %mul3A_207 : i32
        %get3A_210 = arith.index_cast %add3A_209 : i32 to index
        %get3A_211 = tpu.vector_load %arg6[%get3A_210] {strides = array<i32>} : memref<32000xf32, #tpu.memory_space<vmem>>, vector<16xf32>,
        %mul3A_212 = arith.mulf %get3A_211, %gather3A_186 : vector<16xf32>
        %exp3A_213 = math.exp %mul3A_212 : vector<16xf32>
        %add3A_214 = arith.addf %add3A_205, %exp3A_213 : vector<16xf32>
        %mul3A_215 = arith.constant 16 : i32
        %mul3A_216 = arith.muli %scan3A_181, %mul3A_215 : i32
        %add3A_217 = arith.constant 9600 : i32
        %add3A_218 = arith.addi %add3A_217, %mul3A_216 : i32
        %get3A_219 = arith.index_cast %add3A_218 : i32 to index
        %get3A_220 = tpu.vector_load %arg6[%get3A_219] {strides = array<i32>} : memref<32000xf32, #tpu.memory_space<vmem>>, vector<16xf32>,
        %mul3A_221 = arith.mulf %get3A_220, %gather3A_186 : vector<16xf32>
        %exp3A_222 = math.exp %mul3A_221 : vector<16xf32>
        %add3A_223 = arith.addf %add3A_214, %exp3A_222 : vector<16xf32>
        %mul3A_224 = arith.constant 16 : i32
        %mul3A_225 = arith.muli %scan3A_181, %mul3A_224 : i32
        %add3A_226 = arith.constant 12800 : i32
        %add3A_227 = arith.addi %add3A_226, %mul3A_225 : i32
        %get3A_228 = arith.index_cast %add3A_227 : i32 to index
        %get3A_229 = tpu.vector_load %arg6[%get3A_228] {strides = array<i32>} : memref<32000xf32, #tpu.memory_space<vmem>>, vector<16xf32>,
        %mul3A_230 = arith.mulf %get3A_229, %gather3A_186 : vector<16xf32>
        %exp3A_231 = math.exp %mul3A_230 : vector<16xf32>
        %add3A_232 = arith.addf %add3A_223, %exp3A_231 : vector<16xf32>
        %mul3A_233 = arith.constant 16 : i32
        %mul3A_234 = arith.muli %scan3A_181, %mul3A_233 : i32
        %add3A_235 = arith.constant 16000 : i32
        %add3A_236 = arith.addi %add3A_235, %mul3A_234 : i32
        %get3A_237 = arith.index_cast %add3A_236 : i32 to index
        %get3A_238 = tpu.vector_load %arg6[%get3A_237] {strides = array<i32>} : memref<32000xf32, #tpu.memory_space<vmem>>, vector<16xf32>,
        %mul3A_239 = arith.mulf %get3A_238, %gather3A_186 : vector<16xf32>
        %exp3A_240 = math.exp %mul3A_239 : vector<16xf32>
        %add3A_241 = arith.addf %add3A_232, %exp3A_240 : vector<16xf32>
        %mul3A_242 = arith.constant 16 : i32
        %mul3A_243 = arith.muli %scan3A_181, %mul3A_242 : i32
        %add3A_244 = arith.constant 19200 : i32
        %add3A_245 = arith.addi %add3A_244, %mul3A_243 : i32
        %get3A_246 = arith.index_cast %add3A_245 : i32 to index
        %get3A_247 = tpu.vector_load %arg6[%get3A_246] {strides = array<i32>} : memref<32000xf32, #tpu.memory_space<vmem>>, vector<16xf32>,
        %mul3A_248 = arith.mulf %get3A_247, %gather3A_186 : vector<16xf32>
        %exp3A_249 = math.exp %mul3A_248 : vector<16xf32>
        %add3A_250 = arith.addf %add3A_241, %exp3A_249 : vector<16xf32>
        %mul3A_251 = arith.constant 16 : i32
        %mul3A_252 = arith.muli %scan3A_181, %mul3A_251 : i32
        %add3A_253 = arith.constant 22400 : i32
        %add3A_254 = arith.addi %add3A_253, %mul3A_252 : i32
        %get3A_255 = arith.index_cast %add3A_254 : i32 to index
        %get3A_256 = tpu.vector_load %arg6[%get3A_255] {strides = array<i32>} : memref<32000xf32, #tpu.memory_space<vmem>>, vector<16xf32>,
        %mul3A_257 = arith.mulf %get3A_256, %gather3A_186 : vector<16xf32>
        %exp3A_258 = math.exp %mul3A_257 : vector<16xf32>
        %add3A_259 = arith.addf %add3A_250, %exp3A_258 : vector<16xf32>
        %mul3A_260 = arith.constant 16 : i32
        %mul3A_261 = arith.muli %scan3A_181, %mul3A_260 : i32
        %add3A_262 = arith.constant 25600 : i32
        %add3A_263 = arith.addi %add3A_262, %mul3A_261 : i32
        %get3A_264 = arith.index_cast %add3A_263 : i32 to index
        %get3A_265 = tpu.vector_load %arg6[%get3A_264] {strides = array<i32>} : memref<32000xf32, #tpu.memory_space<vmem>>, vector<16xf32>,
        %mul3A_266 = arith.mulf %get3A_265, %gather3A_186 : vector<16xf32>
        %exp3A_267 = math.exp %mul3A_266 : vector<16xf32>
        %add3A_268 = arith.addf %add3A_259, %exp3A_267 : vector<16xf32>
        %mul3A_269 = arith.constant 16 : i32
        %mul3A_270 = arith.muli %scan3A_181, %mul3A_269 : i32
        %add3A_271 = arith.constant 28800 : i32
        %add3A_272 = arith.addi %add3A_271, %mul3A_270 : i32
        %get3A_273 = arith.index_cast %add3A_272 : i32 to index
        %get3A_274 = tpu.vector_load %arg6[%get3A_273] {strides = array<i32>} : memref<32000xf32, #tpu.memory_space<vmem>>, vector<16xf32>,
        %mul3A_275 = arith.mulf %get3A_274, %gather3A_186 : vector<16xf32>
        %exp3A_276 = math.exp %mul3A_275 : vector<16xf32>
        %add3A_277 = arith.addf %add3A_268, %exp3A_276 : vector<16xf32>
        %div3A_278 = arith.constant 1.000000e+00 : f32
        %div3A_279 = vector.broadcast %div3A_278 : f32 to vector<16xf32>
        %div3A_280 = arith.divf %div3A_279, %add3A_277 : vector<16xf32>
        tpu.vector_store_idx %arg11[%get3A_185], %div3A_280 {add = true} : memref<16xf32, #tpu.memory_space<vmem>>[vector<16xi32>], vector<16xf32>,
      }
      %scan3A_161 = arith.constant 200 : i32
      %barrier3A_162 = arith.constant 0 : index
      tpu.barrier barrier_id(%barrier3A_162)
      %eq3A_163 = arith.constant 0 : i32
      %eq3A_164 = arith.cmpi eq, %arg1, %eq3A_163 : i32
      %convert_element_type3A_165 = arith.extui %eq3A_164 : i1 to i32
      %cond3A_166 = arith.constant 0 : i32
      %cond3A_167 = arith.cmpi ne, %convert_element_type3A_165, %cond3A_166 : i32
      scf.if %cond3A_167 {
        "tpu.region"() ({
          %run_scoped3A = tpu.sem_alloc : memref<!tpu.dma_semaphore, #tpu.memory_space<semaphore_mem>>
          tpu.enqueue_dma source(%arg13 : memref<16xf32, #tpu.memory_space<vmem>>) target(%arg15 : memref<16xf32, #tpu.memory_space<vmem_shared>>) target_semaphore(%run_scoped3A : memref<!tpu.dma_semaphore, #tpu.memory_space<semaphore_mem>>)
          tpu.wait_dma2 semaphore(%run_scoped3A : memref<!tpu.dma_semaphore, #tpu.memory_space<semaphore_mem>>) src(%arg13 : memref<16xf32, #tpu.memory_space<vmem>>) dst(%arg15 : memref<16xf32, #tpu.memory_space<vmem_shared>>)
          tpu.yield
        }) : () -> ()
      } else {
      }
      %barrier3A_168 = arith.constant 0 : index
      tpu.barrier barrier_id(%barrier3A_168)
      "tpu.region"() ({
        %run_scoped3A = tpu.sem_alloc : memref<!tpu.dma_semaphore, #tpu.memory_space<semaphore_mem>>
        %dma_start3A = arith.constant 0 : i32
        %dma_start3A_181 = tpu.memref_slice %arg15[%dma_start3A] : memref<16xf32, #tpu.memory_space<vmem_shared>> -> memref<16xf32, #tpu.memory_space<vmem_shared>>
        tpu.enqueue_indirect_dma source(%arg11 : memref<16xf32, #tpu.memory_space<vmem>>) target(%dma_start3A_181 : memref<16xf32, #tpu.memory_space<vmem_shared>>) offsets(%arg14 : memref<16xi32, #tpu.memory_space<vmem>>) semaphore(%run_scoped3A : memref<!tpu.dma_semaphore, #tpu.memory_space<semaphore_mem>>) {add = true}
        %dma_wait3A = arith.constant 0 : i32
        %dma_wait3A_182 = tpu.memref_slice %arg15[%dma_wait3A] : memref<16xf32, #tpu.memory_space<vmem_shared>> -> memref<16xf32, #tpu.memory_space<vmem_shared>>
        tpu.wait_indirect_dma semaphore(%run_scoped3A : memref<!tpu.dma_semaphore, #tpu.memory_space<semaphore_mem>>) src(%arg11 : memref<16xf32, #tpu.memory_space<vmem>>) dst(%dma_wait3A_182 : memref<16xf32, #tpu.memory_space<vmem_shared>>)
        tpu.yield
      }) : () -> ()
      %barrier3A_169 = arith.constant 0 : index
      tpu.barrier barrier_id(%barrier3A_169)
      "tpu.region"() ({
        %run_scoped3A = tpu.sem_alloc : memref<!tpu.dma_semaphore, #tpu.memory_space<semaphore_mem>>
        tpu.enqueue_dma source(%arg15 : memref<16xf32, #tpu.memory_space<vmem_shared>>) target(%arg12 : memref<16xf32, #tpu.memory_space<vmem>>) target_semaphore(%run_scoped3A : memref<!tpu.dma_semaphore, #tpu.memory_space<semaphore_mem>>)
        tpu.wait_dma2 semaphore(%run_scoped3A : memref<!tpu.dma_semaphore, #tpu.memory_space<semaphore_mem>>) src(%arg15 : memref<16xf32, #tpu.memory_space<vmem_shared>>) dst(%arg12 : memref<16xf32, #tpu.memory_space<vmem>>)
        tpu.yield
      }) : () -> ()
      %get3A_170 = arith.constant 0 : index
      %get3A_171 = tpu.vector_load %arg12[%get3A_170] {strides = array<i32>} : memref<16xf32, #tpu.memory_space<vmem>>, vector<16xf32>,
      %div3A_172 = arith.divf %get3A_171, %get3A_95 : vector<16xf32>
      %gt3A = arith.cmpf ogt, %div3A_172, %div3A : vector<16xf32>
      %select_n3A_173 = arith.select %gt3A, %mul3A_145, %scan3A_138 : vector<16xi1>, vector<16xf32>
      %select_n3A_174 = arith.select %gt3A, %scan3A_139, %mul3A_145 : vector<16xi1>, vector<16xf32>
      %sub3A = arith.subf %div3A_172, %div3A : vector<16xf32>
      %abs3A = math.absf %sub3A : vector<16xf32>
      %lt3A_175 = arith.constant 9.99999993E-9 : f32
      %lt3A_176 = vector.broadcast %lt3A_175 : f32 to vector<16xf32>
      %lt3A_177 = arith.cmpf olt, %abs3A, %lt3A_176 : vector<16xf32>
      %select_n3A_178 = arith.select %scan3A_141, %scan3A_138, %select_n3A_173 : vector<16xi1>, vector<16xf32>
      %select_n3A_179 = arith.select %scan3A_141, %scan3A_139, %select_n3A_174 : vector<16xi1>, vector<16xf32>
      %select_n3A_180 = arith.select %scan3A_141, %scan3A_140, %mul3A_145 : vector<16xi1>, vector<16xf32>
      %or3A = arith.ori %scan3A_141, %lt3A_177 : vector<16xi1>
      scf.yield %select_n3A_178, %select_n3A_179, %select_n3A_180, %or3A : vector<16xf32>, vector<16xf32>, vector<16xf32>, vector<16xi1>
    }
    %scan3A_118 = arith.constant 20 : i32
    %swap3A_119 = arith.constant 0 : index
    %swap3A_120 = tpu.vector_load %arg10[%swap3A_119] {strides = array<i32>} : memref<16xf32, #tpu.memory_space<vmem>>, vector<16xf32>,
    tpu.vector_store %arg10[%swap3A_119], %scan3A_117#2 {strides = array<i32>} : memref<16xf32, #tpu.memory_space<vmem>>, vector<16xf32>,
    %eq3A_121 = arith.constant 0 : i32
    %eq3A_122 = arith.cmpi eq, %arg1, %eq3A_121 : i32
    %eq3A_123 = arith.constant 0 : i32
    %eq3A_124 = arith.cmpi eq, %arg0, %eq3A_123 : i32
    %and3A_125 = arith.andi %eq3A_122, %eq3A_124 : i1
    %convert_element_type3A_126 = arith.extui %and3A_125 : i1 to i32
    %cond3A_127 = arith.constant 0 : i32
    %cond3A_128 = arith.cmpi ne, %convert_element_type3A_126, %cond3A_127 : i32
    scf.if %cond3A_128 {
      "tpu.region"() ({
        %run_scoped3A = tpu.sem_alloc : memref<!tpu.dma_semaphore, #tpu.memory_space<semaphore_mem>>
        %dma_start3A = arith.constant 0 : i32
        %dma_start3A_137 = tpu.memref_slice %arg10[%dma_start3A] : memref<16xf32, #tpu.memory_space<vmem>> -> memref<8xf32, #tpu.memory_space<vmem>>
        %dma_start3A_138 = arith.constant 0 : i32
        %dma_start3A_139 = tpu.memref_slice %arg5[%dma_start3A_138] : memref<16xf32, #tpu.memory_space<hbm>> -> memref<8xf32, #tpu.memory_space<hbm>>
        %dma_start3A_140 = arith.constant 0 : i32
        %dma_start3A_141 = tpu.memref_slice %arg5[%dma_start3A_140] : memref<16xf32, #tpu.memory_space<hbm>> -> memref<8xf32, #tpu.memory_space<hbm>>
        %dma_start3A_142 = arith.constant 0 : i32
        %dma_start3A_143 = tpu.memref_slice %arg10[%dma_start3A_142] : memref<16xf32, #tpu.memory_space<vmem>> -> memref<8xf32, #tpu.memory_space<vmem>>
        tpu.enqueue_dma source(%dma_start3A_143 : memref<8xf32, #tpu.memory_space<vmem>>) target(%dma_start3A_141 : memref<8xf32, #tpu.memory_space<hbm>>) target_semaphore(%run_scoped3A : memref<!tpu.dma_semaphore, #tpu.memory_space<semaphore_mem>>)
        %dma_wait3A = arith.constant 0 : i32
        %dma_wait3A_144 = tpu.memref_slice %arg10[%dma_wait3A] : memref<16xf32, #tpu.memory_space<vmem>> -> memref<8xf32, #tpu.memory_space<vmem>>
        %dma_wait3A_145 = arith.constant 0 : i32
        %dma_wait3A_146 = tpu.memref_slice %arg5[%dma_wait3A_145] : memref<16xf32, #tpu.memory_space<hbm>> -> memref<8xf32, #tpu.memory_space<hbm>>
        %dma_wait3A_147 = arith.constant 0 : i32
        %dma_wait3A_148 = tpu.memref_slice %arg5[%dma_wait3A_147] : memref<16xf32, #tpu.memory_space<hbm>> -> memref<8xf32, #tpu.memory_space<hbm>>
        %dma_wait3A_149 = arith.constant 0 : i32
        %dma_wait3A_150 = tpu.memref_slice %arg10[%dma_wait3A_149] : memref<16xf32, #tpu.memory_space<vmem>> -> memref<8xf32, #tpu.memory_space<vmem>>
        tpu.wait_dma2 semaphore(%run_scoped3A : memref<!tpu.dma_semaphore, #tpu.memory_space<semaphore_mem>>) src(%dma_wait3A_150 : memref<8xf32, #tpu.memory_space<vmem>>) dst(%dma_wait3A_148 : memref<8xf32, #tpu.memory_space<hbm>>)
        tpu.yield
      }) : () -> ()
    } else {
    }
    %eq3A_129 = arith.constant 0 : i32
    %eq3A_130 = arith.cmpi eq, %arg1, %eq3A_129 : i32
    %eq3A_131 = arith.constant 1 : i32
    %eq3A_132 = arith.cmpi eq, %arg0, %eq3A_131 : i32
    %and3A_133 = arith.andi %eq3A_130, %eq3A_132 : i1
    %convert_element_type3A_134 = arith.extui %and3A_133 : i1 to i32
    %cond3A_135 = arith.constant 0 : i32
    %cond3A_136 = arith.cmpi ne, %convert_element_type3A_134, %cond3A_135 : i32
    scf.if %cond3A_136 {
      "tpu.region"() ({
        %run_scoped3A = tpu.sem_alloc : memref<!tpu.dma_semaphore, #tpu.memory_space<semaphore_mem>>
        %dma_start3A = arith.constant 8 : i32
        %dma_start3A_137 = tpu.memref_slice %arg10[%dma_start3A] : memref<16xf32, #tpu.memory_space<vmem>> -> memref<8xf32, #tpu.memory_space<vmem>>
        %dma_start3A_138 = arith.constant 8 : i32
        %dma_start3A_139 = tpu.memref_slice %arg5[%dma_start3A_138] : memref<16xf32, #tpu.memory_space<hbm>> -> memref<8xf32, #tpu.memory_space<hbm>>
        %dma_start3A_140 = arith.constant 8 : i32
        %dma_start3A_141 = tpu.memref_slice %arg5[%dma_start3A_140] : memref<16xf32, #tpu.memory_space<hbm>> -> memref<8xf32, #tpu.memory_space<hbm>>
        %dma_start3A_142 = arith.constant 8 : i32
        %dma_start3A_143 = tpu.memref_slice %arg10[%dma_start3A_142] : memref<16xf32, #tpu.memory_space<vmem>> -> memref<8xf32, #tpu.memory_space<vmem>>
        tpu.enqueue_dma source(%dma_start3A_143 : memref<8xf32, #tpu.memory_space<vmem>>) target(%dma_start3A_141 : memref<8xf32, #tpu.memory_space<hbm>>) target_semaphore(%run_scoped3A : memref<!tpu.dma_semaphore, #tpu.memory_space<semaphore_mem>>)
        %dma_wait3A = arith.constant 8 : i32
        %dma_wait3A_144 = tpu.memref_slice %arg10[%dma_wait3A] : memref<16xf32, #tpu.memory_space<vmem>> -> memref<8xf32, #tpu.memory_space<vmem>>
        %dma_wait3A_145 = arith.constant 8 : i32
        %dma_wait3A_146 = tpu.memref_slice %arg5[%dma_wait3A_145] : memref<16xf32, #tpu.memory_space<hbm>> -> memref<8xf32, #tpu.memory_space<hbm>>
        %dma_wait3A_147 = arith.constant 8 : i32
        %dma_wait3A_148 = tpu.memref_slice %arg5[%dma_wait3A_147] : memref<16xf32, #tpu.memory_space<hbm>> -> memref<8xf32, #tpu.memory_space<hbm>>
        %dma_wait3A_149 = arith.constant 8 : i32
        %dma_wait3A_150 = tpu.memref_slice %arg10[%dma_wait3A_149] : memref<16xf32, #tpu.memory_space<vmem>> -> memref<8xf32, #tpu.memory_space<vmem>>
        tpu.wait_dma2 semaphore(%run_scoped3A : memref<!tpu.dma_semaphore, #tpu.memory_space<semaphore_mem>>) src(%dma_wait3A_150 : memref<8xf32, #tpu.memory_space<vmem>>) dst(%dma_wait3A_148 : memref<8xf32, #tpu.memory_space<hbm>>)
        tpu.yield
      }) : () -> ()
    } else {
    }
    return
  }
}

</mosaic_0001>

<sc_bundles>
// kernel: kernel.3.cloned.1.call-start
scs
__scs_entry_jumppad:
0x0: {  	(pc) =	sbr.rel $0x88, $3  }
0x1: {  	(tag) =	ssettag $0x0;
	lr =	simm.s32 $0x1  }
0x2: {  	[smem:$0x3F9F] =	sst lr;
	_ =	strace $0xD0000000  }
0x3: {  	_ = 	snop  }
0x4: {  	_ = 	snop  }
0x5: {  	_ = 	snop  }
0x6: {  	_ = 	snop  }
0x7: {  	_ = 	snop  }
__scs_overlays_trampoline_lowered:
0x8: {  	[smem:$0x3FAE] =	sst s0  }
0x9: {  	[smem:$0x3FAF] =	sst s1  }
0xa: {  	[smem:$0x3FB0] =	sst s2  }
0xb: {  	[smem:$0x3FB1] =	sst s3  }
0xc: {  	[smem:$0x3FB2] =	sst s4  }
0xd: {  	[smem:$0x3FB3] =	sst s5  }
0xe: {  	[smem:$0x3FB4] =	sst s6  }
0xf: {  	[smem:$0x3FB5] =	sst s7  }
0x10: {  	[smem:$0x3FB6] =	sst s8  }
0x11: {  	[smem:$0x3FB7] =	sst s9;
	s0 =	simm.s32 @!p0 $0x0  }
0x12: {  	s1 =	sld [smem:$0x3F9D];
	s0 =	simm.s32 @p0 $0x1  }
0x13: {  	[smem:$0x3FB8] =	sst s0;
	s0 =	simm.s32 @!p1 $0x0  }
0x14: {  	s2 =	sld [smem:$0x3F9C];
	s0 =	simm.s32 @p1 $0x1  }
0x15: {  	[smem:$0x3FB9] =	sst s0;
	s0 =	simm.s32 @!p2 $0x0  }
0x16: {  	s3 =	sld [smem:$0x3FDB];
	s0 =	simm.s32 @p2 $0x1  }
0x17: {  	s4 =	simm.s32 $0x1BF5;
	[smem:$0x3FBB] =	sst s0  }
0x18: {  	s0 =	sld [smem:$0x3F9E];
	_ =	swait.ge [sflag:s4], $0x0  }
0x19: {  	s7 =	sld [smem:$0x3F9F]  }
0x1a: {  	s8 =	sadd.s32 $0xFFFFE003, lr  }
0x1b: {  	s9 =	sadd.s32 $0xFFFFFEF7, lr;
	s5 =	simm.s32 $0xFFFFFFFF;
	p2 =	slt.u32 s8, $0xFFFFF086  }
0x1c: {  	p1 =	slt.u32 s9, $0xF7A;
	s5 =	simm.s32 @!p2 $0x0  }
0x1d: {  	s5 =	simm.s32 @p1 $0x1;
	p0 =	seq.s32 s7, s2  }
0x1e: {  	s7 =	smul.u32 @!p0 $0xF7A, s2;
	p2 =	seq.s32 @!p0 s5, $0x0  }
0x1f: {  	s9 =	smul.u32 $0xF7A, s1;
	s8 =	simm.s32 @!p0 $0x1BF5;
	p2 =	por !p2, p0  }
0x20: {  	[sflag:s8] =	ssyncset.s32 @!p0 $0xFFFFF086;
	s6 =	sadd.s32 @!p0 s3, s7;
	s7 =	simm.s32 @!p0 $0x108  }
0x21: {  	s3 =	sadd.s32 s3, s9;
	s6 =	sadd.s32 @!p0 $0x88, s6;
	s7 =	simm.s32 @p2 $0x1082  }
0x22: {  	[simem:s7], [sflag:s8] =	dma.local @!p0 [hbm:s6], $0xF7A  }
0x23: {  	s9 =	sor.u32 $0xD0000000, s2;
	s6 =	simm.s32 $0x108;
	_ =	swait.ge @!p0 [sflag:s8], $0x0  }
0x24: {  	s3 =	sadd.s32 $0x88, s3;
	s6 =	simm.s32 @!p1 $0x1082;
	[sflag:s4] =	ssyncset.s32 $0xFFFFF086  }
0x25: {  	[simem:s6], [sflag:s4] =	dma.local [hbm:s3], $0xF7A  }
0x26: {  	[smem:$0x3F9F] =	sst s1;
	(tag) =	ssettag s2;
	_ =	strace s9  }
0x27: {  	s1 =	sld [smem:$0x3FAF]  }
0x28: {  	s2 =	sld [smem:$0x3FB0]  }
0x29: {  	s4 =	sld [smem:$0x3FB2]  }
0x2a: {  	p0 =	seq.s32 s5, $0x0;
	s5 =	sld [smem:$0x3FB3]  }
0x2b: {  	s6 =	sld [smem:$0x3FB4]  }
0x2c: {  	s7 =	sld [smem:$0x3FB5]  }
0x2d: {  	s3 =	simm.s32 $0x108;
	s8 =	sld [smem:$0x3FB6]  }
0x2e: {  	s3 =	simm.s32 @!p0 $0x1082;
	s9 =	sld [smem:$0x3FB7]  }
0x2f: {  	lr =	sadd.s32 s0, s3;
	s0 =	sld [smem:$0x3FAE]  }
0x30: {  	s3 =	sld [smem:$0x3FB1]  }
0x31: {  	[smem:$0x3FBA] =	sst s10  }
0x32: {  	s10 =	sld [smem:$0x3FB8];
	_ =	sdelay $0x3  }
0x33: {  	p0 =	seq.s32 s10, $0x1;
	s10 =	sld [smem:$0x3FBA];
	_ =	sdelay $0x3  }
0x34: {  	[smem:$0x3FBA] =	sst s10  }
0x35: {  	s10 =	sld [smem:$0x3FB9];
	_ =	sdelay $0x3  }
0x36: {  	p1 =	seq.s32 s10, $0x1;
	s10 =	sld [smem:$0x3FBA];
	_ =	sdelay $0x3  }
0x37: {  	[smem:$0x3FBA] =	sst s10  }
0x38: {  	s10 =	sld [smem:$0x3FBB]  }
0x39: {  	_ = 	snop;
	(pc) =	sbr.ind lr, $3  }
0x3a: {  	_ = 	snop  }
0x3b: {  	_ = 	snop  }
0x3c: {  	p2 =	seq.s32 s10, $0x1;
	s10 =	sld [smem:$0x3FBA]  }
0x3d: {  	_ =	shalt  }
0x3e: {  	_ =	shalt  }
0x3f: {  	_ =	shalt  }
0x40: {  	_ =	shalt  }
0x41: {  	_ =	shalt  }
0x42: {  	_ =	shalt  }
0x43: {  	_ =	shalt  }
0x44: {  	_ =	shalt  }
0x45: {  	_ =	shalt  }
0x46: {  	_ =	shalt  }
0x47: {  	_ =	shalt  }
0x48: {  	_ =	shalt  }
0x49: {  	_ =	shalt  }
0x4a: {  	_ =	shalt  }
0x4b: {  	_ =	shalt  }
0x4c: {  	_ =	shalt  }
0x4d: {  	_ =	shalt  }
0x4e: {  	_ =	shalt  }
0x4f: {  	_ =	shalt  }
0x50: {  	_ =	shalt  }
0x51: {  	_ =	shalt  }
0x52: {  	_ =	shalt  }
0x53: {  	_ =	shalt  }
0x54: {  	_ =	shalt  }
0x55: {  	_ =	shalt  }
0x56: {  	_ =	shalt  }
0x57: {  	_ =	shalt  }
0x58: {  	_ =	shalt  }
0x59: {  	_ =	shalt  }
0x5a: {  	_ =	shalt  }
0x5b: {  	_ =	shalt  }
0x5c: {  	_ =	shalt  }
0x5d: {  	_ =	shalt  }
0x5e: {  	_ =	shalt  }
0x5f: {  	_ =	shalt  }
0x60: {  	_ =	shalt  }
0x61: {  	_ =	shalt  }
0x62: {  	_ =	shalt  }
0x63: {  	_ =	shalt  }
0x64: {  	_ =	shalt  }
0x65: {  	_ =	shalt  }
0x66: {  	_ =	shalt  }
0x67: {  	_ =	shalt  }
0x68: {  	_ =	shalt  }
0x69: {  	_ =	shalt  }
0x6a: {  	_ =	shalt  }
0x6b: {  	_ =	shalt  }
0x6c: {  	_ =	shalt  }
0x6d: {  	_ =	shalt  }
0x6e: {  	_ =	shalt  }
0x6f: {  	_ =	shalt  }
0x70: {  	_ =	shalt  }
0x71: {  	_ =	shalt  }
0x72: {  	_ =	shalt  }
0x73: {  	_ =	shalt  }
0x74: {  	_ =	shalt  }
0x75: {  	_ =	shalt  }
0x76: {  	_ =	shalt  }
0x77: {  	_ =	shalt  }
0x78: {  	_ =	shalt  }
0x79: {  	_ =	shalt  }
0x7a: {  	_ =	shalt  }
0x7b: {  	_ =	shalt  }
0x7c: {  	_ =	shalt  }
0x7d: {  	_ =	shalt  }
0x7e: {  	_ =	shalt  }
0x7f: {  	_ =	shalt  }
0x80: {  	_ =	shalt  }
0x81: {  	_ =	shalt  }
0x82: {  	_ =	shalt  }
0x83: {  	_ =	shalt  }
0x84: {  	_ =	shalt  }
0x85: {  	_ =	shalt  }
0x86: {  	_ =	shalt  }
0x87: {  	_ =	shalt  }
.Lfunc_end0:
.L_simem_size_0:
called_computation_lowered:
.L_overlay_start_0:
0x88: {  	s2 =	sld [smem:$0x3FD9]  }
0x89: {  	s3 =	sld [smem:$0x3FFE];
	_ =	sdelay $0x1  }
0x8a: {  	s1 =	srdreg.scid  }
0x8b: {  	s0 =	sand.u32 $0x1, s1  }
0x8c: {  	s17 =	sshll.u32 s0, $0xA;
	s2 =	sadd.s32 s3, s2  }
0x8d: {  	s2 =	sadd.s32 s2, s17  }
0x8e: {  	[smem:$0x3FC6] =	sst s2  }
0x8f: {  	_ = 	snop  }
0x90: {  	s2 =	sld [smem:$0x3FD0];
	(tm) =	ssettm $0x1  }
0x91: {  	s18 =	sld [smem:$0x3FFB];
	_ =	sdelay $0x3  }
0x92: {  	_ =	strace s18  }
0x93: {  	s3 =	sld [smem:$0x3FFC];
	_ =	sdelay $0x3  }
0x94: {  	_ =	strace s3  }
0x95: {  	s3 =	sld [smem:$0x3FFD];
	_ =	sdelay $0x3  }
0x96: {  	_ =	strace s3  }
0x97: {  	_ =	strace $0x8FFFFFFF  }
0x98: {  	s19 =	sld [smem:$0x3FDB];
	_ =	sdelay $0x1  }
0x99: {  	s4 =	simm.s32 $_scs_section_size  }
0x9a: {  	s5 =	simm.s32 $_size__tile_overlayer_lowered;
	s6 =	simm.s32 $_tile_overlayer_lowered  }
0x9b: {  	s22 =	simm.s32 $0x1BFF;
	s21 =	sshll.u32 s6, $0x1;
	s3 =	sadd.s32 s4, s19  }
0x9c: {  	s7 =	simm.s32 $0x0;
	s20 =	sshll.u32 s5, $0x1;
	s5 =	sadd.s32 s21, s3  }
0x9d: {  	[timem:s7], [sflag:s22] =	dma.local [hbm:s5], s20  }
0x9e: {  	_ =	swait.ge [sflag:s22], s20  }
0x9f: {  	s4 =	ssub.s32 $0x0, s20;
	[sflag:s22] =	ssyncset.done $0x0  }
0xa0: {  	[sflag:s22] =	ssyncadd.s32 s4;
	_ =	sdelay $0x1  }
0xa1: {  	s23 =	simm.s32 $0x1B8B  }
0xa2: {  	_ =	swait.ge [sflag:s23], $0x1  }
0xa3: {  	[sflag:s23] =	ssyncset.done $0x0  }
0xa4: {  	s25 =	simm.s32 $0x1B8E;
	s24 =	sld [smem:$0x3FFE];
	[sflag:s23] =	ssyncadd.s32 $0xFFFFFFFF  }
0xa5: {  	s26 =	simm.s32 $execute0_lowered;
	[smem:$0x3FD2] =	sst s25  }
0xa6: {  	s5 =	sshll.u32 s26, $0x1;
	_ =	strace $0x80000046;
	[dreg:$0x1] =	wrdreg $0xFFFFFFFF  }
0xa7: {  	s28 =	simm.s32 $_size_execute0_lowered;
	s3 =	sadd.s32 s3, s5;
	[dreg:$0x0] =	wrdreg $0x0  }
0xa8: {  	s5 =	sshll.u32 s28, $0x1;
	[dreg:$0x2] =	wrdreg s3  }
0xa9: {  	[dreg:$0x3] =	wrdreg s5  }
0xaa: {  	[dreg:$0x4] =	wrdreg $0xC0  }
0xab: {  	_ =	task [dreg:s7], $0x5FFFF  }
0xac: {  	[dreg:$0x1] =	wrdreg $0xFFFFFFFF  }
0xad: {  	[dreg:$0x0] =	wrdreg $0x60  }
0xae: {  	[dreg:$0x2] =	wrdreg s24  }
0xaf: {  	[dreg:$0x3] =	wrdreg s2  }
0xb0: {  	[dreg:$0x4] =	wrdreg $0x99000  }
0xb1: {  	[dreg:$0x5] =	wrdreg $0x9  }
0xb2: {  	_ =	task.clear_ibuf [dreg:s7], $0x6FFFF;
	_ =	strace $0x90000046  }
0xb3: {  	s29 =	simm.s32 $0x9;
	_ =	strace $0x80000048  }
0xb4: {  	_ =	swait.ge [sflag:s29], $0x1  }
0xb5: {  	[sflag:s29] =	ssyncadd.s32 $0xFFFFFFFF  }
0xb6: {  	_ =	strace $0x90000048  }
0xb7: {  	_ =	sfence  }
0xb8: {  	s30 =	sld [smem:$0x0];
	_ =	sdelay $0x2  }
0xb9: {  	s31 =	sshll.u32 s1, $0xD;
	s1 =	sshrl.u32 s1, $0x2  }
0xba: {  	s3 =	sand.u32 $0x4000, s31;
	s1 =	sadd.s32 s1, s30  }
0xbb: {  	s0 =	sor.u32 s3, s0;
	s1 =	sshll.u32 s1, $0x11  }
0xbc: {  	s0 =	sor.u32 s1, s0  }
0xbd: {  	s0 =	sadd.s32 $0x8F2B, s0  }
0xbe: {  	[sflag:s0] =	ssyncadd.remote.s32 $0x1  }
0xbf: {  	_ =	sfence.sel $0xFFFF  }
0xc0: {  	[dreg:$0x0] =	wrdreg $0xFFFFFFFF;
	(pc) =	sbr.abs _section_cstart, $3  }
0xc1: {  	[dreg:$0x1] =	wrdreg $0xFFFFFFFF  }
0xc2: {  	_ =	task.clear_ibuf [dreg:s7], $0x2FFFF;
	_ =	strace $0x9FFFFFFF  }
0xc3: {  	(tm) =	ssettm $0x7FFFFFFF  }
tec
execute0_lowered:
.L_overlay_start_1:
0x0: {  	(tag) =	ssettag $0x1  }
0x1: {  	s0 =	rddreg [dreg:$0x0]  }
0x2: {  	s17 =	rddreg [dreg:$0x1]  }
0x3: {  	s2 =	rddreg [dreg:$0x2]  }
0x4: {  	s1 =	stileid.u32;
	s5 =	srdreg.scid;
	s4 =	simm.s32 $0x0  }
0x5: {  	s19 =	simm.s32 $0x1;
	s30 =	simm.s32 $0x9600;
	s31 =	simm.s32 $0x9700  }
0x6: {  	s20 =	simm.s32 $0x9880;
	s21 =	simm.s32 $0x9680;
	s22 =	simm.s32 $0x0  }
0x7: {  	s3 =	smul.u32 $0xC80, s1;
	s5 =	sand.u32 $0x1, s5;
	[smem:$0x7FF] =	sst s4  }
0x8: {  	p0 =	seq.s32 s1, $0x0;
	s17 =	sadd.s32 $0x1, s17;
	s7 =	ssub.s32 $0x2, s5  }
0x9: {  	_ =	strace $0x80000047;
	s28 =	sshll.u32 s5, $0x3;
	p1 =	seq.s32 s5, $0x1  }
0xa: {  	s5 =	sor.u32 s5, s1;
	s6 =	sshrl.u32 s3, $0x3;
	s8 =	sshrl.u32 s7, $0x1  }
0xb: {  	v0 =	vlaneseq.u32;
	v4 =	vimm.s32 $0x3;
	s29 =	smin.u32 s28, $0x7;
	p0 =	por !p0, !p1;
	p1 =	sne.s32 s1, $0x0  }
0xc: {  	v5 =	vimm.s32 $0x4;
	v6 =	vimm.s32 $0x5;
	v7 =	vimm.s32 $0x6;
	p2 =	sne.s32 s5, $0x0;
	s1 =	simm.s32 $0x10;
	s6 =	sadd.s32 s6, s0  }
0xd: {  	v8 =	vimm.s32 $0x7;
	v9 =	vimm.s32 $0x8;
	v10 =	vimm.s32 $0x9;
	s0 =	sadd.s32 $0x11A00, s0;
	s23 =	ssub.s32 s7, s8;
	s8 =	sor.u32 $0x8, s29  }
0xe: {  	v11 =	vimm.s32 $0xA;
	v12 =	vimm.s32 $0xB;
	v13 =	vimm.s32 $0xC;
	p0 =	por !p0, !p0;
	[dreg:$0x4] =	wrdreg s0;
	s24 =	sadd.s32 $0x600, s6  }
0xf: {  	v14 =	vimm.s32 $0xD;
	v15 =	vimm.s32 $0xE;
	v16 =	vimm.s32 $0xF;
	s25 =	sadd.s32 $0x1F00, s6;
	s26 =	sadd.s32 $0x3800, s6;
	s9 =	sadd.s32 $0x5100, s6  }
0x10: {  	v17 =	vimm.s32 $0x0;
	v2 =	vadd.s32 $0x1, v0;
	v1 =	vmov s28;
	s10 =	sadd.s32 $0x6A00, s6;
	s11 =	sadd.s32 $0x8300, s6;
	s12 =	sadd.s32 $0x9C00, s6  }
0x11: {  	v18 =	vimm.f32 $1.000000000e+00;
	vm0 =	vlt.u32 v1, v2;
	s13 =	sadd.s32 $0xB500, s6;
	s14 =	sadd.s32 $0xCE00, s6;
	v3 =	vmov s8;
	[dreg:$0x5] =	wrdreg s24  }
0x12: {  	v1 =	vimm.f32 $0.0e+00;
	v2 =	vimm.s32 $0x1;
	s15 =	sadd.s32 $0xE700, s6;
	s16 =	sadd.s32 $0x10000, s6;
	[dreg:$0x6] =	wrdreg s25;
	vm1 =	vgt.u32 v3, v0  }
0x13: {  	s18 =	smax.u32 s23, $0x1;
	s0 =	simm.s32 $0x9780;
	[dreg:$0x7] =	wrdreg s26;
	v3 =	vimm.s32 $0x2;
	vm0 =	vmand vm0, vm1;
	vm1 =	vmxor vm1, vm1  }
.LBB2_1:
0x14: {  	s5 =	rddreg [dreg:$0x5]  }
0x15: {  	[tilespmem:s4], [sflag:$0x1] =	stream.linear.gather [hbm4b:s5+s4], $0xC80, $0x38;
	[tilespmem:$0x9908] =	vst v63  }
0x16: {  	_ =	swait.ge [sflag:s19], $0xC80  }
0x17: {  	[sflag:s19] =	ssyncset.done $0x0  }
0x18: {  	s6 =	simm.s32 $0xC80;
	s23 =	rddreg [dreg:$0x6];
	[sflag:s19] =	ssyncadd.s32 $0xFFFFF380  }
0x19: {  	[tilespmem:s6], [sflag:$0x1] =	stream.linear.gather [hbm4b:s23+s4], $0xC80, $0x38;
	[tilespmem:$0x9908] =	vst v63  }
0x1a: {  	_ =	swait.ge [sflag:s19], $0xC80  }
0x1b: {  	[sflag:s19] =	ssyncset.done $0x0  }
0x1c: {  	s25 =	simm.s32 $0x1900;
	s24 =	rddreg [dreg:$0x7];
	[sflag:s19] =	ssyncadd.s32 $0xFFFFF380  }
0x1d: {  	[tilespmem:s25], [sflag:$0x1] =	stream.linear.gather [hbm4b:s24+s4], $0xC80, $0x38;
	[tilespmem:$0x9908] =	vst v63  }
0x1e: {  	_ =	swait.ge [sflag:s19], $0xC80  }
0x1f: {  	[sflag:s19] =	ssyncset.done $0x0  }
0x20: {  	s26 =	simm.s32 $0x2580;
	[sflag:s19] =	ssyncadd.s32 $0xFFFFF380  }
0x21: {  	[tilespmem:s26], [sflag:$0x1] =	stream.linear.gather [hbm4b:s9+s4], $0xC80, $0x38;
	[tilespmem:$0x9908] =	vst v63  }
0x22: {  	_ =	swait.ge [sflag:s19], $0xC80  }
0x23: {  	[sflag:s19] =	ssyncset.done $0x0  }
0x24: {  	s6 =	simm.s32 $0x3200;
	[sflag:s19] =	ssyncadd.s32 $0xFFFFF380  }
0x25: {  	[tilespmem:s6], [sflag:$0x1] =	stream.linear.gather [hbm4b:s10+s4], $0xC80, $0x38;
	[tilespmem:$0x9908] =	vst v63  }
0x26: {  	_ =	swait.ge [sflag:s19], $0xC80  }
0x27: {  	[sflag:s19] =	ssyncset.done $0x0  }
0x28: {  	s7 =	simm.s32 $0x3E80;
	[sflag:s19] =	ssyncadd.s32 $0xFFFFF380  }
0x29: {  	[tilespmem:s7], [sflag:$0x1] =	stream.linear.gather [hbm4b:s11+s4], $0xC80, $0x38;
	[tilespmem:$0x9908] =	vst v63  }
0x2a: {  	_ =	swait.ge [sflag:s19], $0xC80  }
0x2b: {  	[sflag:s19] =	ssyncset.done $0x0  }
0x2c: {  	s8 =	simm.s32 $0x4B00;
	[sflag:s19] =	ssyncadd.s32 $0xFFFFF380  }
0x2d: {  	[tilespmem:s8], [sflag:$0x1] =	stream.linear.gather [hbm4b:s12+s4], $0xC80, $0x38;
	[tilespmem:$0x9908] =	vst v63  }
0x2e: {  	_ =	swait.ge [sflag:s19], $0xC80  }
0x2f: {  	[sflag:s19] =	ssyncset.done $0x0  }
0x30: {  	s23 =	simm.s32 $0x5780;
	[sflag:s19] =	ssyncadd.s32 $0xFFFFF380  }
0x31: {  	[tilespmem:s23], [sflag:$0x1] =	stream.linear.gather [hbm4b:s13+s4], $0xC80, $0x38;
	[tilespmem:$0x9908] =	vst v63  }
0x32: {  	_ =	swait.ge [sflag:s19], $0xC80  }
0x33: {  	[sflag:s19] =	ssyncset.done $0x0  }
0x34: {  	s24 =	simm.s32 $0x6400;
	[sflag:s19] =	ssyncadd.s32 $0xFFFFF380  }
0x35: {  	[tilespmem:s24], [sflag:$0x1] =	stream.linear.gather [hbm4b:s14+s4], $0xC80, $0x38;
	[tilespmem:$0x9908] =	vst v63  }
0x36: {  	_ =	swait.ge [sflag:s19], $0xC80  }
0x37: {  	[sflag:s19] =	ssyncset.done $0x0  }
0x38: {  	s25 =	simm.s32 $0x7080;
	[sflag:s19] =	ssyncadd.s32 $0xFFFFF380  }
0x39: {  	[tilespmem:s25], [sflag:$0x1] =	stream.linear.gather [hbm4b:s15+s4], $0xC80, $0x38;
	[tilespmem:$0x9908] =	vst v63  }
0x3a: {  	_ =	swait.ge [sflag:s19], $0xC80  }
0x3b: {  	[sflag:s19] =	ssyncset.done $0x0  }
0x3c: {  	s25 =	simm.s32 $0x8980;
	[sflag:s19] =	ssyncadd.s32 $0xFFFFF380  }
0x3d: {  	[tilespmem:s25], [sflag:$0x1] =	stream.linear.gather [hbm4b:s16+s4], $0xC80, $0x38;
	[tilespmem:$0x9908] =	vst v63  }
0x3e: {  	_ =	swait.ge [sflag:s19], $0xC80  }
0x3f: {  	[sflag:s19] =	ssyncset.done $0x0  }
0x40: {  	s26 =	rddreg [dreg:$0x4];
	[sflag:s19] =	ssyncadd.s32 $0xFFFFF380  }
0x41: {  	[tilespmem:s30], [sflag:$0x1] =	stream.linear.gather [hbm4b:s26+s4], $0x80, $0x38;
	[tilespmem:$0x9908] =	vst v63  }
0x42: {  	_ =	swait.ge [sflag:s19], $0x80  }
0x43: {  	[sflag:s19] =	ssyncset.done $0x0  }
0x44: {  	[sflag:s19] =	ssyncadd.s32 $0xFFFFFF80  }
0x45: {  	[tilespmem:$0x9880] =	vst v0  }
0x46: {  	[tilespmem:$0x9800] =	vst v1  }
0x47: {  	v31 =	vld.msk [tilespmem:s30+$0x0], $0xffff  }
0x48: {  	v34 =	vld.idx.msk [tilespmem:v2+s30+$0x0], $0xffff  }
0x49: {  	v33 =	vld.idx.msk [tilespmem:v3+s30+$0x0], $0xffff  }
0x4a: {  	v32 =	vld.idx.msk [tilespmem:v4+s30+$0x0], $0xffff  }
0x4b: {  	v30 =	vld.idx.msk [tilespmem:v5+s30+$0x0], $0xffff  }
0x4c: {  	v29 =	vld.idx.msk [tilespmem:v6+s30+$0x0], $0xffff  }
0x4d: {  	v28 =	vld.idx.msk [tilespmem:v7+s30+$0x0], $0xffff  }
0x4e: {  	v27 =	vld.idx.msk [tilespmem:v8+s30+$0x0], $0xffff  }
0x4f: {  	v26 =	vld.idx.msk [tilespmem:v9+s30+$0x0], $0xffff  }
0x50: {  	v25 =	vld.idx.msk [tilespmem:v10+s30+$0x0], $0xffff  }
0x51: {  	v24 =	vld.idx.msk [tilespmem:v11+s30+$0x0], $0xffff  }
0x52: {  	v23 =	vld.idx.msk [tilespmem:v12+s30+$0x0], $0xffff  }
0x53: {  	v22 =	vld.idx.msk [tilespmem:v13+s30+$0x0], $0xffff  }
0x54: {  	v21 =	vld.idx.msk [tilespmem:v14+s30+$0x0], $0xffff  }
0x55: {  	v20 =	vld.idx.msk [tilespmem:v15+s30+$0x0], $0xffff  }
0x56: {  	v19 =	vld.idx.msk [tilespmem:v16+s30+$0x0], $0xffff;
	[tilespmem:$0x9700] =	vst v1  }
0x57: {  	s23 =	sand.u32 $0xFF0, s4;
	[tilespmem:$0x9780] =	vst v1  }
0x58: {  	v39 =	vld [tilespmem:s23+$0xC80]  }
0x59: {  	v38 =	vld [tilespmem:s4+$0x0]  }
0x5a: {  	v40 =	vld [tilespmem:s23+$0x1900]  }
0x5b: {  	v44 =	vld [tilespmem:s23+$0x2580]  }
0x5c: {  	v45 =	vld [tilespmem:s23+$0x3200]  }
0x5d: {  	v52 =	vld [tilespmem:s23+$0x3E80]  }
0x5e: {  	v41 =	vld [tilespmem:s23+$0x4B00];
	v35 =	vmax.f32 v38, v39  }
0x5f: {  	v42 =	vld [tilespmem:s23+$0x5780];
	v35 =	vmax.f32 v35, v40  }
0x60: {  	v37 =	vld [tilespmem:s23+$0x6400];
	v35 =	vmax.f32 v35, v44  }
0x61: {  	v50 =	vld [tilespmem:s23+$0x7080];
	v35 =	vmax.f32 v35, v45  }
0x62: {  	v35 =	vmax.f32 v35, v52  }
0x63: {  	v35 =	vmax.f32 v35, v41  }
0x64: {  	v35 =	vmax.f32 v35, v42  }
0x65: {  	v35 =	vmax.f32 v35, v37  }
0x66: {  	v43 =	vmax.f32 v35, v50  }
0x67: {  	v36 =	vsub.f32 v38, v43  }
0x68: {  	v53 =	vsub.f32 v44, v43;
	v48 =	vsub.f32 v39, v43  }
0x69: {  	vm2 =	veq.f32 v50, v43;
	v51 =	vsub.f32 v40, v43;
	v49 =	vsub.f32 v45, v43  }
0x6a: {  	v57 =	vsub.f32 v52, v43;
	v35 =	vsub.f32 v41, v43;
	v47 =	vmul.f32 $1.442695020e+00, v36  }
0x6b: {  	vm3 =	veq.f32 v42, v43;
	v54 =	vsel vm2, $0x9, v11;
	v55 =	vmul.f32 $1.442695020e+00, v48  }
0x6c: {  	vm2 =	veq.f32 v37, v43;
	v56 =	vmul.f32 $1.442695020e+00, v51;
	(erf) = vpow2.f32 v47  }
0x6d: {  	v37 =	vsub.f32 v37, v43;
	v46 =	vmul.f32 $1.442695020e+00, v49;
	[tilespmem:s4+$0x0] =	vst v36;
	v58 =	vmul.f32 $1.442695020e+00, v53  }
0x6e: {  	v36 =	vsub.f32 v42, v43;
	v42 =	vsub.f32 v50, v43;
	[tilespmem:s23+$0xC80] =	vst v48;
	(erf) = vpow2.f32 v55  }
0x6f: {  	v54 =	vsel vm2, $0x8, v54;
	v48 =	vmul.f32 $1.442695020e+00, v35;
	[tilespmem:s23+$0x3200] =	vst v49;
	v50 =	vmul.f32 $1.442695020e+00, v37  }
0x70: {  	vm2 =	veq.f32 v41, v43;
	[tilespmem:s23+$0x3E80] =	vst v57;
	v47 =	vmul.f32 $1.442695020e+00, v57;
	(erf) = vpow2.f32 v56  }
0x71: {  	s29 =	simm.s32 $0x7D00;
	s28 =	simm.s32 $0x8980;
	s5 =	simm.s32 $0x10;
	[tilespmem:s23+$0x1900] =	vst v51;
	v54 =	vsel vm3, $0x7, v54;
	v49 =	vmul.f32 $1.442695020e+00, v36;
	v51 =	vmul.f32 $1.442695020e+00, v42  }
0x72: {  	s6 =	simm.s32 $0x0;
	s24 =	simm.s32 $0x7D00;
	s26 =	simm.s32 $0x0;
	[tilespmem:s23+$0x2580] =	vst v53;
	v41 =	vsel vm2, $0x6, v54;
	vm2 =	veq.f32 v52, v43;
	(erf) = vpow2.f32 v58  }
.LBB2_2:
0x73: {  	vm7 =	veq.f32 v45, v43;
	vm6 =	veq.f32 v44, v43;
	vm3 =	veq.f32 v40, v43;
	s6 =	sadd.s32 $0x10, s6;
	s25 =	sadd.s32 $0x10, s25;
	s29 =	sadd.s32 $0x10, s29  }
0x74: {  	p3 =	sne.s32 s5, $0xC70;
	vm5 =	veq.f32 v39, v43;
	vm4 =	veq.f32 v38, v43;
	s7 =	smov.u32 s5;
	s5 =	sadd.s32 $0x10, s5;
	(erf) = vpow2.f32 v46  }
0x75: {  	s8 =	sand.u32 $0xFF0, s7;
	v38 =	vpop (erf)  }
0x76: {  	v38 =	vadd.f32 $0.0e+00, v38;
	(erf) = vpow2.f32 v47  }
0x77: {  	v39 =	vpop (erf)  }
0x78: {  	v38 =	vadd.f32 v38, v39;
	(erf) = vpow2.f32 v48  }
0x79: {  	v39 =	vpop (erf)  }
0x7a: {  	v38 =	vadd.f32 v38, v39;
	(erf) = vpow2.f32 v49  }
0x7b: {  	v39 =	vpop (erf)  }
0x7c: {  	v38 =	vadd.f32 v38, v39;
	(erf) = vpow2.f32 v50  }
0x7d: {  	v39 =	vpop (erf)  }
0x7e: {  	v38 =	vadd.f32 v38, v39;
	(erf) = vpow2.f32 v51  }
0x7f: {  	v39 =	vpop (erf)  }
0x80: {  	v38 =	vadd.f32 v38, v39  }
0x81: {  	v39 =	vpop (erf)  }
0x82: {  	v38 =	vadd.f32 v38, v39  }
0x83: {  	v39 =	vpop (erf)  }
0x84: {  	v38 =	vadd.f32 v38, v39  }
0x85: {  	v39 =	vpop (erf)  }
0x86: {  	v38 =	vadd.f32 v38, v39  }
0x87: {  	v39 =	vpop (erf)  }
0x88: {  	v38 =	vadd.f32 v38, v39;
	_ =	sdelay $0x1  }
0x89: {  	(erf) = vrcp.f32 v38;
	_ =	sdelay $0x8  }
0x8a: {  	v38 =	vpop (erf)  }
0x8b: {  	vm8 =	vgt.f32 v38, v31;
	vm9 =	vgt.f32 v38, v34;
	vm10 =	vgt.f32 v38, v33  }
0x8c: {  	vm11 =	vgt.f32 v38, v32;
	vm12 =	vgt.f32 v38, v30;
	vm9 =	vmneg vm9  }
0x8d: {  	v39 =	vsel vm8, $0x1, v17;
	vm8 =	vgt.f32 v38, v29;
	v40 =	vsel vm9, $0xFFFFFFFF, v17  }
0x8e: {  	v43 =	vsel vm10, $0x1, v17;
	vm9 =	vgt.f32 v38, v28;
	v39 =	vadd.s32 v39, v40  }
0x8f: {  	vm10 =	vgt.f32 v38, v27;
	v40 =	vsel vm11, $0x1, v17;
	v39 =	vadd.s32 v43, v39  }
0x90: {  	vm11 =	vgt.f32 v38, v26;
	v43 =	vsel vm12, $0x1, v17;
	v39 =	vadd.s32 v40, v39  }
0x91: {  	v40 =	vsel vm8, $0x1, v17;
	vm8 =	vgt.f32 v38, v25;
	v39 =	vadd.s32 v43, v39  }
0x92: {  	v43 =	vsel vm9, $0x1, v17;
	vm9 =	vgt.f32 v38, v24;
	v39 =	vadd.s32 v40, v39  }
0x93: {  	v40 =	vsel vm10, $0x1, v17;
	vm10 =	vgt.f32 v38, v23;
	v39 =	vadd.s32 v43, v39  }
0x94: {  	v43 =	vsel vm11, $0x1, v17;
	vm11 =	vgt.f32 v38, v22;
	v39 =	vadd.s32 v40, v39  }
0x95: {  	v40 =	vsel vm8, $0x1, v17;
	vm8 =	vgt.f32 v38, v21;
	v39 =	vadd.s32 v43, v39  }
0x96: {  	[tilespmem:s23+$0x7080] =	vst v42;
	v42 =	vsel vm9, $0x1, v17;
	vm9 =	vgt.f32 v38, v20;
	v39 =	vadd.s32 v40, v39  }
0x97: {  	[tilespmem:s23+$0x4B00] =	vst v35;
	v35 =	vsel vm10, $0x1, v17;
	vm10 =	vgt.f32 v38, v19;
	v38 =	vadd.s32 v42, v39  }
0x98: {  	[tilespmem:s23+$0x5780] =	vst v36;
	v36 =	vsel vm11, $0x1, v17;
	v35 =	vadd.s32 v35, v38  }
0x99: {  	v38 =	vsel vm8, $0x1, v17;
	[tilespmem:s23+$0x6400] =	vst v37;
	v37 =	vsel vm2, $0x5, v41;
	v35 =	vadd.s32 v36, v35;
	s23 =	smov.u32 s8  }
0x9a: {  	v39 =	vsel vm9, $0x1, v17;
	v36 =	vsel vm7, $0x4, v37;
	v37 =	vld [tilespmem:s28+$0x0];
	v35 =	vadd.s32 v38, v35;
	s28 =	smov.u32 s25  }
0x9b: {  	s8 =	sadd.s32 s26, s3;
	s26 =	smov.u32 s7;
	v38 =	vsel vm10, $0x1, v17;
	v36 =	vsel vm6, $0x3, v36;
	v35 =	vadd.s32 v39, v35  }
0x9c: {  	p4 =	slt.u32 s8, $0xC350;
	v36 =	vsel vm3, $0x2, v36;
	v35 =	vadd.s32 v38, v35  }
0x9d: {  	v36 =	vsel vm5, $0x1, v36;
	v35 =	vpsel !p4, $0xF, v35  }
0x9e: {  	vm3 =	vmmov vm1;
	v36 =	vsel vm4, $0x0, v36;
	[tilespmem:s24+$0x0] =	vst v35;
	s24 =	smov.u32 s29  }
0x9f: {  	vm3 =	vmneg @p4 vm3;
	vm2 =	veq.s32 v36, v37  }
0xa0: {  	vm2 =	vmand vm3, vm2;
	_ =	sdelay $0x1  }
0xa1: {  	v36 =	vsel vm2, $0x3F800000, v1;
	[tilespmem:v35+s31+$0x0] =	vst.idx.add.f32.msk $0xffff, v18  }
0xa2: {  	[tilespmem:v35+s0+$0x0] =	vst.idx.add.f32.msk $0xffff, v36  }
0xa3: {  	v40 =	vld [tilespmem:s23+$0x1900]  }
0xa4: {  	v39 =	vld [tilespmem:s23+$0xC80]  }
0xa5: {  	v38 =	vld [tilespmem:s6+$0x0]  }
0xa6: {  	v44 =	vld [tilespmem:s23+$0x2580]  }
0xa7: {  	v52 =	vld [tilespmem:s23+$0x3E80]  }
0xa8: {  	v45 =	vld [tilespmem:s23+$0x3200]  }
0xa9: {  	v41 =	vld [tilespmem:s23+$0x4B00]  }
0xaa: {  	v50 =	vld [tilespmem:s23+$0x5780];
	v35 =	vmax.f32 v38, v39  }
0xab: {  	v37 =	vld [tilespmem:s23+$0x6400];
	v35 =	vmax.f32 v35, v40  }
0xac: {  	v42 =	vld [tilespmem:s23+$0x7080];
	v35 =	vmax.f32 v35, v44  }
0xad: {  	v35 =	vmax.f32 v35, v45  }
0xae: {  	v35 =	vmax.f32 v35, v52  }
0xaf: {  	v35 =	vmax.f32 v35, v41  }
0xb0: {  	v35 =	vmax.f32 v35, v50  }
0xb1: {  	v35 =	vmax.f32 v35, v37  }
0xb2: {  	v43 =	vmax.f32 v35, v42  }
0xb3: {  	v35 =	vsub.f32 v38, v43;
	v51 =	vsub.f32 v44, v43;
	vm2 =	veq.f32 v42, v43  }
0xb4: {  	v36 =	vsub.f32 v39, v43;
	v49 =	vsub.f32 v40, v43;
	v53 =	vsel vm2, $0x9, v11  }
0xb5: {  	v48 =	vsub.f32 v45, v43;
	vm2 =	veq.f32 v37, v43;
	v47 =	vmul.f32 $1.442695020e+00, v35;
	[tilespmem:s6+$0x0] =	vst v35  }
0xb6: {  	v56 =	vsub.f32 v52, v43;
	v54 =	vmul.f32 $1.442695020e+00, v36;
	v55 =	vmul.f32 $1.442695020e+00, v49;
	[tilespmem:s23+$0xC80] =	vst v36  }
0xb7: {  	v46 =	vmul.f32 $1.442695020e+00, v48;
	v35 =	vsub.f32 v41, v43;
	[tilespmem:s23+$0x3200] =	vst v48;
	(erf) = vpow2.f32 v47  }
0xb8: {  	v57 =	vmul.f32 $1.442695020e+00, v51;
	v36 =	vsub.f32 v50, v43;
	v47 =	vmul.f32 $1.442695020e+00, v56;
	[tilespmem:s23+$0x3E80] =	vst v56  }
.Ltmp0:
0xb9: {  	v37 =	vsub.f32 v37, v43;
	v48 =	vmul.f32 $1.442695020e+00, v35;
	[tilespmem:s23+$0x1900] =	vst v49;
	(erf) = vpow2.f32 v54;
	(pc) =	sbr.rel @p3 .LBB2_2-.Ltmp0, $4  }
0xba: {  	v42 =	vsub.f32 v42, v43;
	vm3 =	veq.f32 v50, v43;
	v49 =	vmul.f32 $1.442695020e+00, v36;
	[tilespmem:s23+$0x2580] =	vst v51  }
0xbb: {  	v53 =	vsel vm2, $0x8, v53;
	v50 =	vmul.f32 $1.442695020e+00, v37;
	(erf) = vpow2.f32 v55  }
0xbc: {  	vm2 =	veq.f32 v41, v43;
	v53 =	vsel vm3, $0x7, v53;
	v51 =	vmul.f32 $1.442695020e+00, v42  }
0xbd: {  	v41 =	vsel vm2, $0x6, v53;
	vm2 =	veq.f32 v52, v43;
	(erf) = vpow2.f32 v57  }
0xbe: {  	_ = 	snop  }
0xbf: {  	(erf) = vpow2.f32 v46  }
0xc0: {  	v62 =	vpop (erf)  }
0xc1: {  	(erf) = vpow2.f32 v47;
	v46 =	vadd.f32 $0.0e+00, v62  }
0xc2: {  	v63 =	vpop (erf)  }
0xc3: {  	(erf) = vpow2.f32 v48;
	v46 =	vadd.f32 v46, v63  }
0xc4: {  	v48 =	vpop (erf)  }
0xc5: {  	(erf) = vpow2.f32 v49;
	v46 =	vadd.f32 v46, v48  }
0xc6: {  	v49 =	vpop (erf)  }
0xc7: {  	(erf) = vpow2.f32 v50;
	v46 =	vadd.f32 v46, v49  }
0xc8: {  	v50 =	vpop (erf)  }
0xc9: {  	(erf) = vpow2.f32 v51;
	v46 =	vadd.f32 v46, v50  }
0xca: {  	v51 =	vpop (erf)  }
0xcb: {  	v46 =	vadd.f32 v46, v51  }
0xcc: {  	v52 =	vpop (erf)  }
0xcd: {  	v46 =	vadd.f32 v46, v52  }
0xce: {  	v53 =	vpop (erf)  }
0xcf: {  	v46 =	vadd.f32 v46, v53  }
0xd0: {  	v54 =	vpop (erf)  }
0xd1: {  	v46 =	vadd.f32 v46, v54  }
0xd2: {  	v55 =	vpop (erf)  }
0xd3: {  	v46 =	vadd.f32 v46, v55;
	_ =	sdelay $0x1  }
0xd4: {  	(erf) = vrcp.f32 v46;
	_ =	sdelay $0x8  }
0xd5: {  	v46 =	vpop (erf)  }
0xd6: {  	vm4 =	veq.f32 v45, v43;
	vm3 =	veq.f32 v44, v43;
	vm5 =	vgt.f32 v46, v34  }
0xd7: {  	vm6 =	vgt.f32 v46, v31;
	vm7 =	vgt.f32 v46, v33;
	vm5 =	vmneg vm5  }
0xd8: {  	vm8 =	vgt.f32 v46, v32;
	v31 =	vsel vm6, $0x1, v17;
	v56 =	vsel vm5, $0xFFFFFFFF, v17  }
0xd9: {  	vm11 =	vgt.f32 v46, v30;
	v57 =	vsel vm7, $0x1, v17;
	v31 =	vadd.s32 v31, v56  }
0xda: {  	vm12 =	vgt.f32 v46, v29;
	v58 =	vsel vm8, $0x1, v17;
	v30 =	vadd.s32 v57, v31  }
0xdb: {  	vm13 =	vgt.f32 v46, v28;
	v59 =	vsel vm11, $0x1, v17;
	v29 =	vadd.s32 v58, v30  }
0xdc: {  	vm14 =	vgt.f32 v46, v27;
	v60 =	vsel vm12, $0x1, v17;
	v28 =	vadd.s32 v59, v29  }
0xdd: {  	vm15 =	vgt.f32 v46, v26;
	v61 =	vsel vm13, $0x1, v17;
	v27 =	vadd.s32 v60, v28  }
0xde: {  	vm9 =	vgt.f32 v46, v25;
	v62 =	vsel vm14, $0x1, v17;
	v26 =	vadd.s32 v61, v27  }
0xdf: {  	vm10 =	vgt.f32 v46, v24;
	v63 =	vsel vm15, $0x1, v17;
	v25 =	vadd.s32 v62, v26  }
0xe0: {  	vm11 =	vgt.f32 v46, v23;
	v23 =	vsel vm9, $0x1, v17;
	v24 =	vadd.s32 v63, v25  }
0xe1: {  	vm12 =	vgt.f32 v46, v22;
	v22 =	vsel vm10, $0x1, v17;
	v23 =	vadd.s32 v23, v24  }
0xe2: {  	[tilespmem:s23+$0x7080] =	vst v42;
	vm13 =	vgt.f32 v46, v21;
	v21 =	vsel vm11, $0x1, v17;
	v22 =	vadd.s32 v22, v23  }
0xe3: {  	[tilespmem:s23+$0x4B00] =	vst v35;
	vm14 =	vgt.f32 v46, v20;
	v20 =	vsel vm12, $0x1, v17;
	v21 =	vadd.s32 v21, v22  }
0xe4: {  	[tilespmem:s23+$0x5780] =	vst v36;
	vm15 =	vgt.f32 v46, v19;
	v19 =	vsel vm13, $0x1, v17;
	v20 =	vadd.s32 v20, v21  }
0xe5: {  	[tilespmem:s23+$0x6400] =	vst v37;
	v22 =	vsel vm14, $0x1, v17;
	v21 =	vsel vm2, $0x5, v41;
	v19 =	vadd.s32 v19, v20  }
0xe6: {  	s5 =	sadd.s32 s26, s3;
	v23 =	vsel vm15, $0x1, v17;
	v20 =	vsel vm4, $0x4, v21;
	v21 =	vld [tilespmem:s28+$0x0];
	v19 =	vadd.s32 v22, v19  }
0xe7: {  	p3 =	slt.u32 s5, $0xC350;
	vm2 =	veq.f32 v40, v43;
	v20 =	vsel vm3, $0x3, v20;
	v19 =	vadd.s32 v23, v19  }
0xe8: {  	vm3 =	veq.f32 v39, v43;
	v20 =	vsel vm2, $0x2, v20;
	v19 =	vpsel !p3, $0xF, v19  }
0xe9: {  	vm2 =	veq.f32 v38, v43;
	v20 =	vsel vm3, $0x1, v20  }
0xea: {  	v20 =	vsel vm2, $0x0, v20;
	vm2 =	vmmov vm1  }
0xeb: {  	vm3 =	veq.s32 v20, v21;
	vm2 =	vmneg @p3 vm2  }
0xec: {  	[tilespmem:s24+$0x0] =	vst v19;
	vm2 =	vmand vm2, vm3  }
0xed: {  	v20 =	vsel vm2, $0x3F800000, v1;
	[tilespmem:v19+s31+$0x0] =	vst.idx.add.f32.msk $0xffff, v18  }
0xee: {  	s6 =	simm.s32 @!p1 $0x1;
	s5 =	simm.s32 @!p1 $0x9800;
	[tilespmem:v19+s0+$0x0] =	vst.idx.add.f32.msk $0xffff, v20  }
0xef: {  	[spmem:s2] =	stream.linear.scatter @!p1 [tilespmem:s5], [sflag:$0x1], $0x80, $0x38;
	[tilespmem:$0x9908] =	vst v63  }
0xf0: {  	_ =	swait.ge @!p1 [sflag:s6], $0x80  }
0xf1: {  	[sflag:s6] =	ssyncset.done @!p1 $0x0  }
0xf2: {  	[sflag:s6] =	ssyncadd.s32 @!p1 $0xFFFFFF80  }
0xf3: {  	[bflag:$0x0] =	sbarrier.arrive $0xFFFF  }
0xf4: {  	[spmem:s2] =	stream.indirect.scatter.add.f32 [tilespmem:s31], [sflag:$0x1], $0x1, s20, s1, $0xb8;
	[tilespmem:$0x9908] =	vst v63  }
0xf5: {  	_ =	swait.ge [sflag:s19], $0x10  }
0xf6: {  	[sflag:s19] =	ssyncset.done $0x0  }
0xf7: {  	[sflag:s19] =	ssyncadd.s32 $0xFFFFFFF0  }
0xf8: {  	[bflag:$0x0] =	sbarrier.arrive $0xFFFF  }
0xf9: {  	[tilespmem:s31], [sflag:$0x1] =	stream.linear.gather [spmem:s2], $0x80, $0x38;
	[tilespmem:$0x9908] =	vst v63  }
0xfa: {  	_ =	swait.ge [sflag:s19], $0x80  }
0xfb: {  	[sflag:s19] =	ssyncset.done $0x0  }
0xfc: {  	[sflag:s19] =	ssyncadd.s32 $0xFFFFFF80  }
0xfd: {  	[bflag:$0x0] =	sbarrier.arrive $0xFFFF  }
0xfe: {  	[spmem:s2] =	stream.linear.scatter @!p1 [tilespmem:s5], [sflag:$0x1], $0x80, $0x38;
	[tilespmem:$0x9908] =	vst v63  }
0xff: {  	_ =	swait.ge @!p1 [sflag:s6], $0x80  }
0x100: {  	[sflag:s6] =	ssyncset.done @!p1 $0x0  }
0x101: {  	[sflag:s6] =	ssyncadd.s32 @!p1 $0xFFFFFF80  }
0x102: {  	[bflag:$0x0] =	sbarrier.arrive $0xFFFF  }
0x103: {  	[spmem:s2] =	stream.indirect.scatter.add.f32 [tilespmem:s0], [sflag:$0x1], $0x1, s20, s1, $0xb8;
	[tilespmem:$0x9908] =	vst v63  }
0x104: {  	_ =	swait.ge [sflag:s19], $0x10  }
0x105: {  	[sflag:s19] =	ssyncset.done $0x0  }
0x106: {  	[sflag:s19] =	ssyncadd.s32 $0xFFFFFFF0  }
0x107: {  	[bflag:$0x0] =	sbarrier.arrive $0xFFFF  }
0x108: {  	[tilespmem:s0], [sflag:$0x1] =	stream.linear.gather [spmem:s2], $0x80, $0x38;
	[tilespmem:$0x9908] =	vst v63  }
0x109: {  	_ =	swait.ge [sflag:s19], $0x80  }
0x10a: {  	[sflag:s19] =	ssyncset.done $0x0  }
0x10b: {  	[sflag:s19] =	ssyncadd.s32 $0xFFFFFF80  }
0x10c: {  	v19 =	vld [tilespmem:$0x9700];
	_ =	sdelay $0x4  }
0x10d: {  	(erf) = vrcp.f32 v19;
	_ =	sdelay $0x4  }
0x10e: {  	v20 =	vld [tilespmem:$0x9780];
	_ =	sdelay $0x3  }
0x10f: {  	v22 =	vimm.f32 $1.000000000e+00;
	v23 =	vimm.f32 $5.000000000e+00;
	v19 =	vpop (erf)  }
0x110: {  	s23 =	simm.s32 $0x0;
	s24 =	simm.s32 $0x0;
	v21 =	vimm.f32 $9.999999930e-09;
	vm2 =	vmmov vm1;
	v20 =	vmul.f32 v19, v20  }
.LBB2_4:
0x111: {  	v24 =	vadd.f32 v23, v21;
	_ =	sdelay $0x1  }
0x112: {  	v24 =	vmul.f32 $5.000000000e-01, v24;
	_ =	sdelay $0x1  }
0x113: {  	(erf) = vrcp.f32 v24;
	_ =	sdelay $0x8  }
0x114: {  	v25 =	vpop (erf)  }
0x115: {  	[tilespmem:$0x9700] =	vst v1;
	v25 =	vnsel vm0, $0x3F800000, v25  }
0x116: {  	s5 =	simm.s32 $0x7D00;
	[tilespmem:$0x9680] =	vst v25  }
0x117: {  	v25 =	vld [tilespmem:s5+$0x0];
	_ =	sdelay $0x6  }
0x118: {  	v27 =	vld [tilespmem:s23+$0x0]  }
0x119: {  	v26 =	vld.idx.msk [tilespmem:v25+s21+$0x0], $0xffff  }
0x11a: {  	s29 =	sand.u32 $0xFF0, s23  }
0x11b: {  	v28 =	vld [tilespmem:s29+$0xC80]  }
0x11c: {  	v29 =	vld [tilespmem:s29+$0x1900];
	_ =	sdelay $0x1  }
0x11d: {  	v27 =	vmul.f32 v27, v26  }
0x11e: {  	v30 =	vld [tilespmem:s29+$0x2580]  }
0x11f: {  	v31 =	vld [tilespmem:s29+$0x3200];
	v28 =	vmul.f32 v28, v26;
	v27 =	vmul.f32 $1.442695020e+00, v27  }
0x120: {  	v29 =	vmul.f32 v29, v26  }
0x121: {  	v28 =	vmul.f32 $1.442695020e+00, v28;
	(erf) = vpow2.f32 v27  }
0x122: {  	v32 =	vld [tilespmem:s29+$0x3E80];
	v29 =	vmul.f32 $1.442695020e+00, v29  }
0x123: {  	v52 =	vld [tilespmem:s29+$0x4B00];
	v27 =	vmul.f32 v30, v26;
	(erf) = vpow2.f32 v28  }
0x124: {  	v53 =	vmul.f32 v31, v26  }
0x125: {  	v27 =	vmul.f32 $1.442695020e+00, v27;
	(erf) = vpow2.f32 v29;
	_ =	sdelay $0x1  }
0x126: {  	v54 =	vld [tilespmem:s29+$0x5780];
	v28 =	vmul.f32 $1.442695020e+00, v53;
	(erf) = vpow2.f32 v27  }
0x127: {  	v56 =	vld [tilespmem:s29+$0x6400];
	v55 =	vmul.f32 v32, v26;
	v27 =	vmul.f32 v52, v26  }
0x128: {  	(erf) = vpow2.f32 v28  }
0x129: {  	v57 =	vld [tilespmem:s29+$0x7080];
	v29 =	vmul.f32 $1.442695020e+00, v55;
	v27 =	vmul.f32 $1.442695020e+00, v27;
	v59 =	vpop (erf)  }
0x12a: {  	v31 =	vadd.f32 $0.0e+00, v59  }
0x12b: {  	v58 =	vmul.f32 v54, v26;
	(erf) = vpow2.f32 v29;
	v61 =	vpop (erf)  }
0x12c: {  	v60 =	vmul.f32 v56, v26;
	v31 =	vadd.f32 v61, v31  }
0x12d: {  	v28 =	vmul.f32 $1.442695020e+00, v58;
	(erf) = vpow2.f32 v27;
	v27 =	vpop (erf)  }
0x12e: {  	v26 =	vmul.f32 v57, v26;
	v27 =	vadd.f32 v27, v31  }
0x12f: {  	v29 =	vmul.f32 $1.442695020e+00, v60;
	(erf) = vpow2.f32 v28;
	v62 =	vpop (erf)  }
0x130: {  	v26 =	vmul.f32 $1.442695020e+00, v26;
	v27 =	vadd.f32 v62, v27  }
0x131: {  	(erf) = vpow2.f32 v29;
	v63 =	vpop (erf)  }
0x132: {  	v27 =	vadd.f32 v63, v27  }
0x133: {  	(erf) = vpow2.f32 v26  }
0x134: {  	v26 =	vpop (erf)  }
0x135: {  	v26 =	vadd.f32 v26, v27  }
0x136: {  	v27 =	vpop (erf)  }
0x137: {  	v26 =	vadd.f32 v27, v26  }
0x138: {  	v27 =	vpop (erf)  }
0x139: {  	v26 =	vadd.f32 v27, v26  }
0x13a: {  	v27 =	vpop (erf)  }
0x13b: {  	v26 =	vadd.f32 v27, v26  }
0x13c: {  	v27 =	vpop (erf)  }
0x13d: {  	v26 =	vadd.f32 v27, v26;
	_ =	sdelay $0x1  }
0x13e: {  	(erf) = vrcp.f32 v26;
	_ =	sdelay $0x8  }
0x13f: {  	v26 =	vpop (erf)  }
0x140: {  	s6 =	simm.s32 $0x7D10;
	[tilespmem:v25+s31+$0x0] =	vst.idx.add.f32.msk $0xffff, v26  }
0x141: {  	s25 =	simm.s32 $0x20;
	s7 =	simm.s32 $0x0;
	s5 =	simm.s32 $0x10;
	v25 =	vld [tilespmem:s6+$0x0]  }
.LBB2_5:
0x142: {  	p3 =	sne.s32 s25, $0xC70;
	_ =	sdelay $0x6  }
0x143: {  	s7 =	sadd.s32 $0x10, s7;
	v26 =	vld.idx.msk [tilespmem:v25+s21+$0x0], $0xffff  }
0x144: {  	v27 =	vld [tilespmem:s7+$0x0]  }
0x145: {  	s8 =	sand.u32 $0xFF0, s5;
	s5 =	smov.u32 s25  }
0x146: {  	v28 =	vld [tilespmem:s8+$0xC80]  }
0x147: {  	v29 =	vld [tilespmem:s8+$0x1900];
	_ =	sdelay $0x1  }
0x148: {  	v27 =	vmul.f32 v27, v26;
	v30 =	vld [tilespmem:s8+$0x2580];
	_ =	sdelay $0x1  }
0x149: {  	v27 =	vmul.f32 $1.442695020e+00, v27;
	v28 =	vmul.f32 v28, v26;
	v31 =	vld [tilespmem:s8+$0x3200]  }
0x14a: {  	v29 =	vmul.f32 v29, v26  }
0x14b: {  	v28 =	vmul.f32 $1.442695020e+00, v28;
	v32 =	vld [tilespmem:s8+$0x3E80];
	(erf) = vpow2.f32 v27  }
0x14c: {  	v27 =	vmul.f32 v30, v26  }
0x14d: {  	v29 =	vmul.f32 $1.442695020e+00, v29;
	v30 =	vld [tilespmem:s8+$0x4B00];
	(erf) = vpow2.f32 v28  }
0x14e: {  	v28 =	vmul.f32 v31, v26  }
0x14f: {  	v27 =	vmul.f32 $1.442695020e+00, v27;
	v31 =	vld [tilespmem:s8+$0x5780];
	(erf) = vpow2.f32 v29  }
0x150: {  	v29 =	vmul.f32 v32, v26  }
0x151: {  	v28 =	vmul.f32 $1.442695020e+00, v28;
	v32 =	vld [tilespmem:s8+$0x6400];
	(erf) = vpow2.f32 v27  }
0x152: {  	v27 =	vmul.f32 v30, v26  }
0x153: {  	v29 =	vmul.f32 $1.442695020e+00, v29;
	v30 =	vld [tilespmem:s8+$0x7080];
	(erf) = vpow2.f32 v28  }
0x154: {  	v28 =	vmul.f32 v31, v26;
	v31 =	vpop (erf)  }
0x155: {  	v33 =	vmul.f32 $1.442695020e+00, v27;
	v31 =	vadd.f32 $0.0e+00, v31;
	(erf) = vpow2.f32 v29  }
0x156: {  	v29 =	vmul.f32 v32, v26;
	v32 =	vpop (erf)  }
0x157: {  	v31 =	vadd.f32 v32, v31;
	v32 =	vmul.f32 $1.442695020e+00, v28;
	(erf) = vpow2.f32 v33  }
0x158: {  	v26 =	vmul.f32 v30, v26;
	v27 =	vpop (erf)  }
0x159: {  	v29 =	vmul.f32 $1.442695020e+00, v29;
	v27 =	vadd.f32 v27, v31;
	(erf) = vpow2.f32 v32  }
0x15a: {  	v28 =	vpop (erf)  }
0x15b: {  	v30 =	vmul.f32 $1.442695020e+00, v26;
	v27 =	vadd.f32 v28, v27;
	(erf) = vpow2.f32 v29  }
0x15c: {  	v28 =	vpop (erf)  }
0x15d: {  	v28 =	vadd.f32 v28, v27;
	(erf) = vpow2.f32 v30  }
0x15e: {  	v26 =	vpop (erf)  }
0x15f: {  	v26 =	vadd.f32 v26, v28  }
0x160: {  	v27 =	vpop (erf)  }
0x161: {  	v26 =	vadd.f32 v27, v26  }
0x162: {  	v27 =	vpop (erf)  }
0x163: {  	v26 =	vadd.f32 v27, v26  }
0x164: {  	v27 =	vpop (erf)  }
0x165: {  	v26 =	vadd.f32 v27, v26  }
0x166: {  	v27 =	vpop (erf)  }
0x167: {  	v26 =	vadd.f32 v27, v26;
	_ =	sdelay $0x1  }
0x168: {  	(erf) = vrcp.f32 v26;
	_ =	sdelay $0x6  }
.Ltmp1:
0x169: {  	(pc) =	sbr.rel @p3 .LBB2_5-.Ltmp1, $4  }
0x16a: {  	_ = 	snop  }
0x16b: {  	v26 =	vpop (erf)  }
0x16c: {  	s6 =	sadd.s32 $0x10, s6;
	[tilespmem:v25+s31+$0x0] =	vst.idx.add.f32.msk $0xffff, v26  }
0x16d: {  	s25 =	sadd.s32 $0x10, s25;
	v25 =	vld [tilespmem:s6+$0x0]  }
0x16e: {  	_ =	sdelay $0x5  }
0x16f: {  	s6 =	sadd.s32 $0x10, s7  }
0x170: {  	v27 =	vld [tilespmem:s6+$0x0]  }
0x171: {  	v26 =	vld.idx.msk [tilespmem:v25+s21+$0x0], $0xffff  }
0x172: {  	s5 =	sand.u32 $0xFF0, s5  }
0x173: {  	v28 =	vld [tilespmem:s5+$0xC80]  }
0x174: {  	v29 =	vld [tilespmem:s5+$0x1900];
	_ =	sdelay $0x1  }
0x175: {  	v30 =	vld [tilespmem:s5+$0x2580];
	v27 =	vmul.f32 v27, v26;
	_ =	sdelay $0x1  }
0x176: {  	v31 =	vld [tilespmem:s5+$0x3200];
	v28 =	vmul.f32 v28, v26;
	v27 =	vmul.f32 $1.442695020e+00, v27  }
0x177: {  	v29 =	vmul.f32 v29, v26  }
0x178: {  	v32 =	vld [tilespmem:s5+$0x3E80];
	v28 =	vmul.f32 $1.442695020e+00, v28;
	(erf) = vpow2.f32 v27  }
0x179: {  	v41 =	vmul.f32 v30, v26  }
0x17a: {  	v42 =	vld [tilespmem:s5+$0x4B00];
	v29 =	vmul.f32 $1.442695020e+00, v29;
	(erf) = vpow2.f32 v28  }
0x17b: {  	v43 =	vmul.f32 v31, v26  }
0x17c: {  	v44 =	vld [tilespmem:s5+$0x5780];
	v27 =	vmul.f32 $1.442695020e+00, v41;
	(erf) = vpow2.f32 v29  }
0x17d: {  	v45 =	vmul.f32 v32, v26  }
0x17e: {  	v46 =	vld [tilespmem:s5+$0x6400];
	v28 =	vmul.f32 $1.442695020e+00, v43;
	(erf) = vpow2.f32 v27  }
0x17f: {  	v47 =	vmul.f32 v42, v26  }
0x180: {  	v48 =	vld [tilespmem:s5+$0x7080];
	v29 =	vmul.f32 $1.442695020e+00, v45;
	(erf) = vpow2.f32 v28  }
0x181: {  	v49 =	vmul.f32 v44, v26;
	v50 =	vpop (erf)  }
0x182: {  	v27 =	vmul.f32 $1.442695020e+00, v47;
	(erf) = vpow2.f32 v29;
	v31 =	vadd.f32 $0.0e+00, v50  }
0x183: {  	v51 =	vmul.f32 v46, v26;
	v52 =	vpop (erf)  }
0x184: {  	v28 =	vmul.f32 $1.442695020e+00, v49;
	(erf) = vpow2.f32 v27;
	v31 =	vadd.f32 v52, v31  }
0x185: {  	v26 =	vmul.f32 v48, v26;
	v53 =	vpop (erf)  }
0x186: {  	v29 =	vmul.f32 $1.442695020e+00, v51;
	(erf) = vpow2.f32 v28;
	v27 =	vadd.f32 v53, v31  }
0x187: {  	v54 =	vpop (erf)  }
0x188: {  	v26 =	vmul.f32 $1.442695020e+00, v26;
	(erf) = vpow2.f32 v29;
	v27 =	vadd.f32 v54, v27  }
0x189: {  	v55 =	vpop (erf)  }
0x18a: {  	(erf) = vpow2.f32 v26;
	v27 =	vadd.f32 v55, v27  }
0x18b: {  	v56 =	vpop (erf)  }
0x18c: {  	v26 =	vadd.f32 v56, v27  }
0x18d: {  	v57 =	vpop (erf)  }
0x18e: {  	v26 =	vadd.f32 v57, v26  }
0x18f: {  	v58 =	vpop (erf)  }
0x190: {  	v26 =	vadd.f32 v58, v26  }
0x191: {  	v59 =	vpop (erf)  }
0x192: {  	v26 =	vadd.f32 v59, v26  }
0x193: {  	v60 =	vpop (erf)  }
0x194: {  	v26 =	vadd.f32 v60, v26;
	_ =	sdelay $0x1  }
0x195: {  	(erf) = vrcp.f32 v26;
	_ =	sdelay $0x8  }
0x196: {  	v26 =	vpop (erf)  }
0x197: {  	[tilespmem:v25+s31+$0x0] =	vst.idx.add.f32.msk $0xffff, v26  }
0x198: {  	s5 =	simm.s32 @!p1 $0x9800;
	[bflag:$0x0] =	sbarrier.arrive $0xFFFF  }
0x199: {  	[spmem:s2] =	stream.linear.scatter @!p1 [tilespmem:s5], [sflag:$0x1], $0x80, $0x38;
	[tilespmem:$0x9908] =	vst v63  }
0x19a: {  	s5 =	simm.s32 @!p1 $0x1  }
0x19b: {  	_ =	swait.ge @!p1 [sflag:s5], $0x80  }
0x19c: {  	[sflag:s5] =	ssyncset.done @!p1 $0x0  }
0x19d: {  	[sflag:s5] =	ssyncadd.s32 @!p1 $0xFFFFFF80  }
0x19e: {  	[bflag:$0x0] =	sbarrier.arrive $0xFFFF  }
0x19f: {  	[spmem:s2] =	stream.indirect.scatter.add.f32 [tilespmem:s31], [sflag:$0x1], $0x1, s20, s1, $0xb8;
	[tilespmem:$0x9908] =	vst v63  }
0x1a0: {  	_ =	swait.ge [sflag:s19], $0x10  }
0x1a1: {  	[sflag:s19] =	ssyncset.done $0x0  }
0x1a2: {  	[sflag:s19] =	ssyncadd.s32 $0xFFFFFFF0  }
0x1a3: {  	[bflag:$0x0] =	sbarrier.arrive $0xFFFF  }
0x1a4: {  	[tilespmem:s0], [sflag:$0x1] =	stream.linear.gather [spmem:s2], $0x80, $0x38;
	[tilespmem:$0x9908] =	vst v63  }
0x1a5: {  	_ =	swait.ge [sflag:s19], $0x80  }
0x1a6: {  	[sflag:s19] =	ssyncset.done $0x0  }
0x1a7: {  	[sflag:s19] =	ssyncadd.s32 $0xFFFFFF80  }
0x1a8: {  	v61 =	vld [tilespmem:$0x9780];
	_ =	sdelay $0x4  }
0x1a9: {  	s24 =	sadd.s32 $0x1, s24;
	v25 =	vmul.f32 v61, v19  }
0x1aa: {  	p3 =	sne.s32 s24, $0x14  }
.Ltmp2:
0x1ab: {  	v62 =	vsub.f32 v25, v20;
	(pc) =	sbr.rel @p3 .LBB2_4-.Ltmp2, $4  }
0x1ac: {  	vm3 =	vgt.f32 v25, v20  }
0x1ad: {  	v22 =	vsel vm2, v22, v24;
	vm4 =	vmneg vm3;
	v63 =	vand.u32 $0x7FFFFFFF, v62  }
0x1ae: {  	vm3 =	vmor vm2, vm3;
	vm4 =	vmor vm2, vm4;
	vm5 =	vlt.f32 v63, $9.999999930e-09  }
0x1af: {  	v23 =	vsel vm3, v23, v24;
	v21 =	vsel vm4, v21, v24;
	vm2 =	vmor vm2, vm5  }
0x1b0: {  	[tilespmem:$0x9680] =	vst v22;
	s5 =	simm.s32 @!p2 $0x0;
	s6 =	simm.s32 @!p2 $0x9680;
	s7 =	rddreg [dreg:$0x1]  }
0x1b1: {  	[hbm4b:s7+s5] =	stream.linear.scatter @!p2 [tilespmem:s6], [sflag:$0x1], $0x8, $0x38;
	[tilespmem:$0x9908] =	vst v63  }
0x1b2: {  	s5 =	simm.s32 @!p2 $0x1  }
0x1b3: {  	_ =	swait.ge @!p2 [sflag:s5], $0x8  }
0x1b4: {  	s22 =	sadd.s32 $0x1, s22;
	s6 =	simm.s32 @p0 $0x9688;
	[sflag:s5] =	ssyncset.done @!p2 $0x0  }
0x1b5: {  	p3 =	sne.s32 s22, s18;
	[sflag:s5] =	ssyncadd.s32 @!p2 $0xFFFFFFF8;
	s5 =	simm.s32 @p0 $0x0  }
0x1b6: {  	[hbm4b:s17+s5] =	stream.linear.scatter @p0 [tilespmem:s6], [sflag:$0x1], $0x8, $0x38;
	[tilespmem:$0x9908] =	vst v63  }
.Ltmp3:
0x1b7: {  	_ = 	snop;
	(pc) =	sbr.rel @p3 .LBB2_1-.Ltmp3, $4  }
0x1b8: {  	s5 =	simm.s32 @p0 $0x1  }
0x1b9: {  	_ =	swait.ge @p0 [sflag:s5], $0x8  }
0x1ba: {  	[sflag:s5] =	ssyncset.done @p0 $0x0  }
0x1bb: {  	[sflag:s5] =	ssyncadd.s32 @p0 $0xFFFFFFF8  }
0x1bc: {  	_ =	sfence.sel $0x180000  }
0x1bd: {  	[bflag:$0x0] =	sbarrier.arrive $0xFFFF  }
0x1be: {  	_ =	strace $0x90000047  }
0x1bf: {  	[bflag:$0x2] =	sbarrier.arrive $0xFFFF  }
0x1c0: {  	s0 =	rddreg [dreg:$0x3]  }
0x1c1: {  	s0 =	sadd.s32 @!p1 $0x100000, s0  }
0x1c2: {  	[sflag:s0] =	ssyncadd.tile.s32 @!p1 $0x1;
	_ =	shalt  }
.Lfunc_end2:
_tile_overlayer_lowered:
.L_overlay_start_2:
0x1c3: {  	(tag) =	ssettag $0x2  }
0x1c4: {  	s0 =	rddreg [dreg:$0x0];
	s2 =	stileid.u32  }
0x1c5: {  	s1 =	rddreg [dreg:$0x1];
	p0 =	sne.s32 s2, $0x0  }
0x1c6: {  	s3 =	rddreg [dreg:$0x2];
	[bflag:$0x3] =	sbarrier.arrive $0xFFFF;
	s2 =	simm.s32 @!p0 $0x1C01  }
0x1c7: {  	[timem:s3], [sflag:s2] =	dma.local @!p0 [hbm:s0], s1  }
0x1c8: {  	s0 =	simm.s32 @!p0 $0x1  }
0x1c9: {  	_ =	swait.ge @!p0 [sflag:s0], s1  }
0x1ca: {  	s1 =	ssub.s32 @!p0 $0x0, s1;
	[sflag:s0] =	ssyncset.done @!p0 $0x0  }
0x1cb: {  	[sflag:s0] =	ssyncadd.s32 @!p0 s1  }
0x1cc: {  	[bflag:$0x3] =	sbarrier.arrive $0xFFFF  }
0x1cd: {  	_ =	shalt  }

</sc_bundles>
